<compile_context>
chip_gen: v7x
topology: tpu7x:2x2x1
jax: 0.10.2.dev20260603
libtpu: 0.0.44.dev20260713+nightly
codegen_flags: <defaults>
</compile_context>

<pallas_src>
import functools

import jax
import jax.numpy as jnp
from jax import lax
from jax.experimental import pallas as pl
from jax.experimental.pallas import tpu as pltpu
from jax.experimental.pallas import tpu_sc as plsc

N_NODES_K = 10000
D_K = 128
ACC_ROWS = 10240
CHUNK = 128
NC, NS = 2, 16


def _sc_aggregate(feature, edges, t0_chunks, t1_chunks):
    mesh = plsc.VectorSubcoreMesh(core_axis_name="c", subcore_axis_name="s")

    q0, r0 = divmod(t0_chunks, NS)
    q1, r1 = divmod(t1_chunks, NS)
    nmax = max(q0 + (1 if r0 else 0), q1 + (1 if r1 else 0))

    @functools.partial(
        pl.kernel,
        out_type=jax.ShapeDtypeStruct((NC, N_NODES_K, D_K), jnp.float32),
        mesh=mesh,
        scratch_types=[
            pltpu.VMEM((2, 2, CHUNK), jnp.int32),
            pltpu.VMEM((CHUNK, D_K), jnp.float32),
            pltpu.VMEM_SHARED((ACC_ROWS, D_K), jnp.float32),
            pltpu.SemaphoreType.DMA((1,)),
            pltpu.SemaphoreType.DMA((2,)),
        ],
    )
    def k(feat_hbm, edges_hbm, out_hbm, idx_v, rows_v, acc_s, sem_g, sem_i):
        core = lax.axis_index("c")
        sid = lax.axis_index("s")
        nn = jnp.where(
            core == 0,
            jnp.where(sid < r0, q0 + 1, q0),
            jnp.where(sid < r1, q1 + 1, q1),
        )
        base = jnp.where(
            core == 0,
            sid * q0 + jnp.minimum(sid, r0),
            t0_chunks + sid * q1 + jnp.minimum(sid, r1),
        )

        def load_idx(chunk, slot, sem):
            off = (base + chunk) * CHUNK
            pltpu.async_copy(
                edges_hbm.at[0].at[pl.ds(off, CHUNK)], slot.at[0], sem
            )
            pltpu.async_copy(
                edges_hbm.at[1].at[pl.ds(off, CHUNK)], slot.at[1], sem
            )

        def wait_idx(slot, sem):
            pltpu.make_async_copy(
                edges_hbm.at[0].at[pl.ds(0, CHUNK)], slot.at[0], sem
            ).wait()
            pltpu.make_async_copy(
                edges_hbm.at[1].at[pl.ds(0, CHUNK)], slot.at[1], sem
            ).wait()

        @pl.loop(0, 128)
        def _(r):
            @pl.loop(0, D_K, step=16)
            def _(c0):
                rows_v[r, pl.ds(c0, 16)] = jnp.zeros((16,), jnp.float32)

        stripe = ACC_ROWS // NS
        @pl.loop(0, stripe, step=128)
        def _(z):
            pltpu.sync_copy(
                rows_v.at[pl.ds(0, 128)],
                acc_s.at[pl.ds(sid * stripe + z, 128)],
            )

        plsc.subcore_barrier()

        load_idx(0, idx_v.at[0], sem_i.at[0])
        wait_idx(idx_v.at[0], sem_i.at[0])

        @pl.loop(0, nmax + (nmax % 2), step=2)
        def _(j):
            for t in range(2):
                cur = idx_v.at[t]
                nxt = idx_v.at[1 - t]

                @pl.when(j + t < nn)
                def _():
                    @pl.when(j + t + 1 < nn)
                    def _():
                        load_idx(j + t + 1, nxt, sem_i.at[1 - t])

                    pltpu.async_copy(
                        feat_hbm.at[cur.at[0]], rows_v, sem_g.at[0]
                    ).wait()
                    pltpu.sync_copy(rows_v, acc_s.at[cur.at[1]], add=True)

                    @pl.when(j + t + 1 < nn)
                    def _():
                        wait_idx(nxt, sem_i.at[1 - t])

        plsc.subcore_barrier()

        @pl.when(sid < NS - 1)
        def _():
            pltpu.sync_copy(
                acc_s.at[pl.ds(sid * stripe, stripe)],
                out_hbm.at[core].at[pl.ds(sid * stripe, stripe)],
            )

        @pl.when(sid == NS - 1)
        def _():
            last = N_NODES_K - (NS - 1) * stripe
            pltpu.sync_copy(
                acc_s.at[pl.ds((NS - 1) * stripe, last)],
                out_hbm.at[core].at[pl.ds((NS - 1) * stripe, last)],
            )

    return k(feature, edges)


def _tc_body(p_ref, w_ref, b_ref, o_ref):
    agg = p_ref[0] + p_ref[1]
    h = jnp.dot(agg, w_ref[...], preferred_element_type=jnp.float32)
    o_ref[...] = jnp.maximum(h + b_ref[...], 0.0)


def _tc_apply(partials, W, b):
    blk = 2000
    return pl.pallas_call(
        _tc_body,
        grid=(N_NODES_K // blk,),
        in_specs=[
            pl.BlockSpec((NC, blk, D_K), lambda i: (0, i, 0)),
            pl.BlockSpec((D_K, D_K), lambda i: (0, 0)),
            pl.BlockSpec((1, D_K), lambda i: (0, 0)),
        ],
        out_specs=pl.BlockSpec((blk, D_K), lambda i: (i, 0)),
        out_shape=jax.ShapeDtypeStruct((N_NODES_K, D_K), jnp.float32),
    )(partials, W, b.reshape(1, D_K))


def kernel(feature, edge_index, W, b):
    e = edge_index.shape[1]
    pad = (-e) % CHUNK
    if pad:
        dummy = N_NODES_K + jnp.arange(pad, dtype=jnp.int32) % (
            ACC_ROWS - N_NODES_K
        )
        pad_block = jnp.stack([jnp.zeros((pad,), jnp.int32), dummy])
        edge_index = jnp.concatenate([edge_index, pad_block], axis=1)
    t = (e + pad) // CHUNK
    t0 = (t * 51) // 100
    t1 = t - t0
    partials = _sc_aggregate(feature, edge_index, t0, t1)
    return _tc_apply(partials, W, b)

# --- scband reference (transcript-rebuilt; emitter-appended) ---
"""Pipeline reference for scband-graph-convolutional-network-44659069944171 (READ-ONLY COPY).

The authoritative reference and input builder live on the scoring server;
editing this copy changes nothing except your own understanding.
"""

import jax, jax.numpy as jnp
import numpy as np

N_NODES = 10000
N_EDGES = 320000
D_IN = 128
D_OUT = 128


def setup_inputs(seed: int = 0) -> dict:
    key = jax.random.key(seed)
    k1, k2, k3 = jax.random.split(key, 3)
    feature = jax.random.normal(k1, (N_NODES, D_IN), dtype=jnp.float32)
    edge_index = jax.random.randint(k2, (2, N_EDGES), 0, N_NODES, dtype=jnp.int32)
    # NodeApplyModule linear params
    W = jax.random.normal(k3, (D_IN, D_OUT), dtype=jnp.float32) * (1.0 / np.sqrt(D_IN))
    b = jnp.zeros((D_OUT,), dtype=jnp.float32)
    return {"feature": feature, "edge_index": edge_index, "W": W, "b": b}


def reference(feature, edge_index, W, b):
    # msg = fn.copy_src(src='h', out='m'): each edge carries the source node's feature
    src = edge_index[0]
    dst = edge_index[1]
    msgs = jnp.take(feature, src, axis=0)              # gather: [E, D_IN]
    # reduce: sum messages into destination nodes (scatter-add / segment_sum)
    agg = jax.ops.segment_sum(msgs, dst, num_segments=N_NODES)  # [N, D_IN]
    # apply_nodes: NodeApplyModule = Linear(in_feats, out_feats) + activation
    h = agg @ W + b
    out = jax.nn.relu(h)
    return out

if __name__ == "__main__":
    import jax
    _d = setup_inputs()
    print(jax.jit(kernel)(*tuple(_d.values())))

</pallas_src>

<mosaic_0001>
#map = affine_map<(d0, d1) -> (0, 0)>
#map1 = affine_map<(d0, d1) -> (0, 0, 0)>
module attributes {stable_mosaic.version = 14 : i64} {
  func.func @k(%arg0: i32, %arg1: i32, %arg2: memref<10000x128xf32, #tpu.memory_space<hbm>>, %arg3: memref<2x320000xi32, #tpu.memory_space<hbm>>, %arg4: memref<2x10000x128xf32, #tpu.memory_space<hbm>>, %arg5: memref<2x2x128xi32, #tpu.memory_space<vmem>>, %arg6: memref<128x128xf32, #tpu.memory_space<vmem>>, %arg7: memref<10240x128xf32, #tpu.memory_space<vmem_shared>>, %arg8: memref<1x!tpu.dma_semaphore, #tpu.memory_space<semaphore_mem>>, %arg9: memref<2x!tpu.dma_semaphore, #tpu.memory_space<semaphore_mem>>) attributes {dimension_semantics = [#tpu.dimension_semantics<core_parallel>, #tpu.dimension_semantics<subcore_parallel>], iteration_bounds = array<i64: 2, 16>, scalar_prefetch = 0 : i64, scratch_operands = 5 : i64, tpu.core_type = #tpu.core_type<sc_vector_subcore>, window_params = [{transform_indices = #map}, {transform_indices = #map}, {transform_indices = #map1}]} {
    %eq3A = arith.constant 0 : i32
    %eq3A_0 = arith.cmpi eq, %arg0, %eq3A : i32
    %lt3A = arith.constant 11 : i32
    %lt3A_1 = arith.cmpi slt, %arg1, %lt3A : i32
    %jit3A = arith.constant 80 : i32
    %jit3A_2 = arith.constant 79 : i32
    %select_n3A = arith.select %lt3A_1, %jit3A, %jit3A_2 : i32
    %lt3A_3 = arith.constant 9 : i32
    %lt3A_4 = arith.cmpi slt, %arg1, %lt3A_3 : i32
    %jit3A_5 = arith.constant 77 : i32
    %jit3A_6 = arith.constant 76 : i32
    %select_n3A_7 = arith.select %lt3A_4, %jit3A_5, %jit3A_6 : i32
    %select_n3A_8 = arith.select %eq3A_0, %select_n3A, %select_n3A_7 : i32
    %eq3A_9 = arith.constant 0 : i32
    %eq3A_10 = arith.cmpi eq, %arg0, %eq3A_9 : i32
    %mul3A = arith.constant 79 : i32
    %mul3A_11 = arith.muli %arg1, %mul3A : i32
    %min3A = arith.constant 11 : i32
    %min3A_12 = arith.minsi %arg1, %min3A : i32
    %add3A = arith.addi %mul3A_11, %min3A_12 : i32
    %mul3A_13 = arith.constant 76 : i32
    %mul3A_14 = arith.muli %arg1, %mul3A_13 : i32
    %add3A_15 = arith.constant 1275 : i32
    %add3A_16 = arith.addi %add3A_15, %mul3A_14 : i32
    %min3A_17 = arith.constant 9 : i32
    %min3A_18 = arith.minsi %arg1, %min3A_17 : i32
    %add3A_19 = arith.addi %add3A_16, %min3A_18 : i32
    %select_n3A_20 = arith.select %eq3A_10, %add3A, %add3A_19 : i32
    %scan3A = arith.constant 0 : i32
    %scan3A_21 = arith.constant 128 : i32
    %scan3A_22 = arith.addi %scan3A, %scan3A_21 : i32
    %scan3A_23 = arith.constant 1 : i32
    scf.for %scan3A_162 = %scan3A to %scan3A_22 step %scan3A_23  : i32 {
      %mul3A_163 = arith.constant 1 : i32
      %mul3A_164 = arith.muli %scan3A_162, %mul3A_163 : i32
      %add3A_165 = arith.constant 0 : i32
      %add3A_166 = arith.addi %add3A_165, %mul3A_164 : i32
      %scan3A_167 = arith.constant 0 : i32
      %scan3A_168 = arith.constant 8 : i32
      %scan3A_169 = arith.addi %scan3A_167, %scan3A_168 : i32
      %scan3A_170 = arith.constant 1 : i32
      scf.for %scan3A_172 = %scan3A_167 to %scan3A_169 step %scan3A_170  : i32 {
        %mul3A_173 = arith.constant 16 : i32
        %mul3A_174 = arith.muli %scan3A_172, %mul3A_173 : i32
        %add3A_175 = arith.constant 0 : i32
        %add3A_176 = arith.addi %add3A_175, %mul3A_174 : i32
        %broadcast_in_dim3A = arith.constant 0.000000e+00 : f32
        %broadcast_in_dim3A_177 = vector.broadcast %broadcast_in_dim3A : f32 to vector<16xf32>
        %swap3A = arith.index_cast %add3A_166 : i32 to index
        %swap3A_178 = arith.index_cast %add3A_176 : i32 to index
        %swap3A_179 = tpu.vector_load %arg6[%swap3A, %swap3A_178] {strides = array<i32>} : memref<128x128xf32, #tpu.memory_space<vmem>>, vector<1x16xf32>,
        %swap3A_180 = vector.shape_cast %swap3A_179 : vector<1x16xf32> to vector<16xf32>
        %swap3A_181 = vector.shape_cast %broadcast_in_dim3A_177 : vector<16xf32> to vector<1x16xf32>
        tpu.vector_store %arg6[%swap3A, %swap3A_178], %swap3A_181 {strides = array<i32>} : memref<128x128xf32, #tpu.memory_space<vmem>>, vector<1x16xf32>,
      }
      %scan3A_171 = arith.constant 8 : i32
    }
    %scan3A_24 = arith.constant 128 : i32
    %scan3A_25 = arith.constant 0 : i32
    %scan3A_26 = arith.constant 5 : i32
    %scan3A_27 = arith.addi %scan3A_25, %scan3A_26 : i32
    %scan3A_28 = arith.constant 1 : i32
    scf.for %scan3A_162 = %scan3A_25 to %scan3A_27 step %scan3A_28  : i32 {
      %mul3A_163 = arith.constant 128 : i32
      %mul3A_164 = arith.muli %scan3A_162, %mul3A_163 : i32
      %add3A_165 = arith.constant 0 : i32
      %add3A_166 = arith.addi %add3A_165, %mul3A_164 : i32
      %mul3A_167 = arith.constant 640 : i32
      %mul3A_168 = arith.muli %arg1, %mul3A_167 : i32
      %add3A_169 = arith.addi %mul3A_168, %add3A_166 : i32
      "tpu.region"() ({
        %run_scoped3A = tpu.sem_alloc : memref<!tpu.dma_semaphore, #tpu.memory_space<semaphore_mem>>
        %dma_start3A_170 = arith.constant 0 : i32
        %dma_start3A_171 = arith.constant 0 : i32
        %dma_start3A_172 = tpu.memref_slice %arg6[%dma_start3A_170, %dma_start3A_171] : memref<128x128xf32, #tpu.memory_space<vmem>> -> memref<128x128xf32, #tpu.memory_space<vmem>>
        %dma_start3A_173 = arith.constant 0 : i32
        %dma_start3A_174 = tpu.memref_slice %arg7[%add3A_169, %dma_start3A_173] : memref<10240x128xf32, #tpu.memory_space<vmem_shared>> -> memref<128x128xf32, #tpu.memory_space<vmem_shared>>
        %dma_start3A_175 = arith.constant 0 : i32
        %dma_start3A_176 = tpu.memref_slice %arg7[%add3A_169, %dma_start3A_175] : memref<10240x128xf32, #tpu.memory_space<vmem_shared>> -> memref<128x128xf32, #tpu.memory_space<vmem_shared>>
        %dma_start3A_177 = arith.constant 0 : i32
        %dma_start3A_178 = arith.constant 0 : i32
        %dma_start3A_179 = tpu.memref_slice %arg6[%dma_start3A_177, %dma_start3A_178] : memref<128x128xf32, #tpu.memory_space<vmem>> -> memref<128x128xf32, #tpu.memory_space<vmem>>
        tpu.enqueue_dma source(%dma_start3A_179 : memref<128x128xf32, #tpu.memory_space<vmem>>) target(%dma_start3A_176 : memref<128x128xf32, #tpu.memory_space<vmem_shared>>) target_semaphore(%run_scoped3A : memref<!tpu.dma_semaphore, #tpu.memory_space<semaphore_mem>>)
        %dma_wait3A_180 = arith.constant 0 : i32
        %dma_wait3A_181 = arith.constant 0 : i32
        %dma_wait3A_182 = tpu.memref_slice %arg6[%dma_wait3A_180, %dma_wait3A_181] : memref<128x128xf32, #tpu.memory_space<vmem>> -> memref<128x128xf32, #tpu.memory_space<vmem>>
        %dma_wait3A_183 = arith.constant 0 : i32
        %dma_wait3A_184 = tpu.memref_slice %arg7[%add3A_169, %dma_wait3A_183] : memref<10240x128xf32, #tpu.memory_space<vmem_shared>> -> memref<128x128xf32, #tpu.memory_space<vmem_shared>>
        %dma_wait3A_185 = arith.constant 0 : i32
        %dma_wait3A_186 = tpu.memref_slice %arg7[%add3A_169, %dma_wait3A_185] : memref<10240x128xf32, #tpu.memory_space<vmem_shared>> -> memref<128x128xf32, #tpu.memory_space<vmem_shared>>
        %dma_wait3A_187 = arith.constant 0 : i32
        %dma_wait3A_188 = arith.constant 0 : i32
        %dma_wait3A_189 = tpu.memref_slice %arg6[%dma_wait3A_187, %dma_wait3A_188] : memref<128x128xf32, #tpu.memory_space<vmem>> -> memref<128x128xf32, #tpu.memory_space<vmem>>
        tpu.wait_dma2 semaphore(%run_scoped3A : memref<!tpu.dma_semaphore, #tpu.memory_space<semaphore_mem>>) src(%dma_wait3A_189 : memref<128x128xf32, #tpu.memory_space<vmem>>) dst(%dma_wait3A_186 : memref<128x128xf32, #tpu.memory_space<vmem_shared>>)
        tpu.yield
      }) : () -> ()
    }
    %scan3A_29 = arith.constant 5 : i32
    %barrier3A = arith.constant 0 : index
    tpu.barrier barrier_id(%barrier3A)
    %add3A_30 = arith.constant 0 : i32
    %add3A_31 = arith.addi %select_n3A_20, %add3A_30 : i32
    %mul3A_32 = arith.constant 128 : i32
    %mul3A_33 = arith.muli %add3A_31, %mul3A_32 : i32
    %dma_start3A = arith.constant 0 : i32
    %dma_start3A_34 = arith.constant 0 : i32
    %dma_start3A_35 = arith.constant 0 : i32
    %dma_start3A_36 = arith.constant 0 : i32
    %dma_start3A_37 = arith.constant 0 : i32
    %dma_start3A_38 = arith.constant 0 : i32
    %dma_start3A_39 = tpu.memref_slice %arg5[%dma_start3A_34, %dma_start3A_37, %dma_start3A_38] : memref<2x2x128xi32, #tpu.memory_space<vmem>> -> memref<1x2x128xi32, #tpu.memory_space<vmem>>
    %dma_start3A_40 = tpu.memref_squeeze %dma_start3A_39 : memref<1x2x128xi32, #tpu.memory_space<vmem>> -> memref<2x128xi32, #tpu.memory_space<vmem>>
    %dma_start3A_41 = arith.constant 0 : i32
    %dma_start3A_42 = tpu.memref_slice %dma_start3A_40[%dma_start3A_35, %dma_start3A_41] : memref<2x128xi32, #tpu.memory_space<vmem>> -> memref<1x128xi32, #tpu.memory_space<vmem>>
    %dma_start3A_43 = tpu.memref_squeeze %dma_start3A_42 : memref<1x128xi32, #tpu.memory_space<vmem>> -> memref<128xi32, #tpu.memory_space<vmem>>
    %dma_start3A_44 = arith.constant 0 : i32
    %dma_start3A_45 = tpu.memref_slice %arg3[%dma_start3A, %dma_start3A_44] : memref<2x320000xi32, #tpu.memory_space<hbm>> -> memref<1x320000xi32, #tpu.memory_space<hbm>>
    %dma_start3A_46 = tpu.memref_squeeze %dma_start3A_45 : memref<1x320000xi32, #tpu.memory_space<hbm>> -> memref<320000xi32, #tpu.memory_space<hbm>>
    %dma_start3A_47 = tpu.memref_slice %dma_start3A_46[%mul3A_33] : memref<320000xi32, #tpu.memory_space<hbm>> -> memref<128xi32, #tpu.memory_space<hbm>>
    %dma_start3A_48 = tpu.memref_slice %arg9[%dma_start3A_36] : memref<2x!tpu.dma_semaphore, #tpu.memory_space<semaphore_mem>> -> memref<1x!tpu.dma_semaphore, #tpu.memory_space<semaphore_mem>>
    %dma_start3A_49 = tpu.memref_squeeze %dma_start3A_48 : memref<1x!tpu.dma_semaphore, #tpu.memory_space<semaphore_mem>> -> memref<!tpu.dma_semaphore, #tpu.memory_space<semaphore_mem>>
    %dma_start3A_50 = arith.constant 0 : i32
    %dma_start3A_51 = arith.constant 0 : i32
    %dma_start3A_52 = tpu.memref_slice %arg5[%dma_start3A_34, %dma_start3A_50, %dma_start3A_51] : memref<2x2x128xi32, #tpu.memory_space<vmem>> -> memref<1x2x128xi32, #tpu.memory_space<vmem>>
    %dma_start3A_53 = tpu.memref_squeeze %dma_start3A_52 : memref<1x2x128xi32, #tpu.memory_space<vmem>> -> memref<2x128xi32, #tpu.memory_space<vmem>>
    %dma_start3A_54 = arith.constant 0 : i32
    %dma_start3A_55 = tpu.memref_slice %dma_start3A_53[%dma_start3A_35, %dma_start3A_54] : memref<2x128xi32, #tpu.memory_space<vmem>> -> memref<1x128xi32, #tpu.memory_space<vmem>>
    %dma_start3A_56 = tpu.memref_squeeze %dma_start3A_55 : memref<1x128xi32, #tpu.memory_space<vmem>> -> memref<128xi32, #tpu.memory_space<vmem>>
    %dma_start3A_57 = arith.constant 0 : i32
    %dma_start3A_58 = tpu.memref_slice %arg3[%dma_start3A, %dma_start3A_57] : memref<2x320000xi32, #tpu.memory_space<hbm>> -> memref<1x320000xi32, #tpu.memory_space<hbm>>
    %dma_start3A_59 = tpu.memref_squeeze %dma_start3A_58 : memref<1x320000xi32, #tpu.memory_space<hbm>> -> memref<320000xi32, #tpu.memory_space<hbm>>
    %dma_start3A_60 = tpu.memref_slice %dma_start3A_59[%mul3A_33] : memref<320000xi32, #tpu.memory_space<hbm>> -> memref<128xi32, #tpu.memory_space<hbm>>
    tpu.enqueue_dma source(%dma_start3A_60 : memref<128xi32, #tpu.memory_space<hbm>>) target(%dma_start3A_56 : memref<128xi32, #tpu.memory_space<vmem>>) target_semaphore(%dma_start3A_49 : memref<!tpu.dma_semaphore, #tpu.memory_space<semaphore_mem>>)
    %dma_start3A_61 = arith.constant 1 : i32
    %dma_start3A_62 = arith.constant 0 : i32
    %dma_start3A_63 = arith.constant 1 : i32
    %dma_start3A_64 = arith.constant 0 : i32
    %dma_start3A_65 = arith.constant 0 : i32
    %dma_start3A_66 = arith.constant 0 : i32
    %dma_start3A_67 = tpu.memref_slice %arg5[%dma_start3A_62, %dma_start3A_65, %dma_start3A_66] : memref<2x2x128xi32, #tpu.memory_space<vmem>> -> memref<1x2x128xi32, #tpu.memory_space<vmem>>
    %dma_start3A_68 = tpu.memref_squeeze %dma_start3A_67 : memref<1x2x128xi32, #tpu.memory_space<vmem>> -> memref<2x128xi32, #tpu.memory_space<vmem>>
    %dma_start3A_69 = arith.constant 0 : i32
    %dma_start3A_70 = tpu.memref_slice %dma_start3A_68[%dma_start3A_63, %dma_start3A_69] : memref<2x128xi32, #tpu.memory_space<vmem>> -> memref<1x128xi32, #tpu.memory_space<vmem>>
    %dma_start3A_71 = tpu.memref_squeeze %dma_start3A_70 : memref<1x128xi32, #tpu.memory_space<vmem>> -> memref<128xi32, #tpu.memory_space<vmem>>
    %dma_start3A_72 = arith.constant 0 : i32
    %dma_start3A_73 = tpu.memref_slice %arg3[%dma_start3A_61, %dma_start3A_72] : memref<2x320000xi32, #tpu.memory_space<hbm>> -> memref<1x320000xi32, #tpu.memory_space<hbm>>
    %dma_start3A_74 = tpu.memref_squeeze %dma_start3A_73 : memref<1x320000xi32, #tpu.memory_space<hbm>> -> memref<320000xi32, #tpu.memory_space<hbm>>
    %dma_start3A_75 = tpu.memref_slice %dma_start3A_74[%mul3A_33] : memref<320000xi32, #tpu.memory_space<hbm>> -> memref<128xi32, #tpu.memory_space<hbm>>
    %dma_start3A_76 = tpu.memref_slice %arg9[%dma_start3A_64] : memref<2x!tpu.dma_semaphore, #tpu.memory_space<semaphore_mem>> -> memref<1x!tpu.dma_semaphore, #tpu.memory_space<semaphore_mem>>
    %dma_start3A_77 = tpu.memref_squeeze %dma_start3A_76 : memref<1x!tpu.dma_semaphore, #tpu.memory_space<semaphore_mem>> -> memref<!tpu.dma_semaphore, #tpu.memory_space<semaphore_mem>>
    %dma_start3A_78 = arith.constant 0 : i32
    %dma_start3A_79 = arith.constant 0 : i32
    %dma_start3A_80 = tpu.memref_slice %arg5[%dma_start3A_62, %dma_start3A_78, %dma_start3A_79] : memref<2x2x128xi32, #tpu.memory_space<vmem>> -> memref<1x2x128xi32, #tpu.memory_space<vmem>>
    %dma_start3A_81 = tpu.memref_squeeze %dma_start3A_80 : memref<1x2x128xi32, #tpu.memory_space<vmem>> -> memref<2x128xi32, #tpu.memory_space<vmem>>
    %dma_start3A_82 = arith.constant 0 : i32
    %dma_start3A_83 = tpu.memref_slice %dma_start3A_81[%dma_start3A_63, %dma_start3A_82] : memref<2x128xi32, #tpu.memory_space<vmem>> -> memref<1x128xi32, #tpu.memory_space<vmem>>
    %dma_start3A_84 = tpu.memref_squeeze %dma_start3A_83 : memref<1x128xi32, #tpu.memory_space<vmem>> -> memref<128xi32, #tpu.memory_space<vmem>>
    %dma_start3A_85 = arith.constant 0 : i32
    %dma_start3A_86 = tpu.memref_slice %arg3[%dma_start3A_61, %dma_start3A_85] : memref<2x320000xi32, #tpu.memory_space<hbm>> -> memref<1x320000xi32, #tpu.memory_space<hbm>>
    %dma_start3A_87 = tpu.memref_squeeze %dma_start3A_86 : memref<1x320000xi32, #tpu.memory_space<hbm>> -> memref<320000xi32, #tpu.memory_space<hbm>>
    %dma_start3A_88 = tpu.memref_slice %dma_start3A_87[%mul3A_33] : memref<320000xi32, #tpu.memory_space<hbm>> -> memref<128xi32, #tpu.memory_space<hbm>>
    tpu.enqueue_dma source(%dma_start3A_88 : memref<128xi32, #tpu.memory_space<hbm>>) target(%dma_start3A_84 : memref<128xi32, #tpu.memory_space<vmem>>) target_semaphore(%dma_start3A_77 : memref<!tpu.dma_semaphore, #tpu.memory_space<semaphore_mem>>)
    %dma_wait3A = arith.constant 0 : i32
    %dma_wait3A_89 = arith.constant 0 : i32
    %dma_wait3A_90 = arith.constant 0 : i32
    %dma_wait3A_91 = arith.constant 0 : i32
    %dma_wait3A_92 = arith.constant 0 : i32
    %dma_wait3A_93 = arith.constant 0 : i32
    %dma_wait3A_94 = tpu.memref_slice %arg5[%dma_wait3A_89, %dma_wait3A_92, %dma_wait3A_93] : memref<2x2x128xi32, #tpu.memory_space<vmem>> -> memref<1x2x128xi32, #tpu.memory_space<vmem>>
    %dma_wait3A_95 = tpu.memref_squeeze %dma_wait3A_94 : memref<1x2x128xi32, #tpu.memory_space<vmem>> -> memref<2x128xi32, #tpu.memory_space<vmem>>
    %dma_wait3A_96 = arith.constant 0 : i32
    %dma_wait3A_97 = tpu.memref_slice %dma_wait3A_95[%dma_wait3A_90, %dma_wait3A_96] : memref<2x128xi32, #tpu.memory_space<vmem>> -> memref<1x128xi32, #tpu.memory_space<vmem>>
    %dma_wait3A_98 = tpu.memref_squeeze %dma_wait3A_97 : memref<1x128xi32, #tpu.memory_space<vmem>> -> memref<128xi32, #tpu.memory_space<vmem>>
    %dma_wait3A_99 = arith.constant 0 : i32
    %dma_wait3A_100 = tpu.memref_slice %arg3[%dma_wait3A, %dma_wait3A_99] : memref<2x320000xi32, #tpu.memory_space<hbm>> -> memref<1x320000xi32, #tpu.memory_space<hbm>>
    %dma_wait3A_101 = tpu.memref_squeeze %dma_wait3A_100 : memref<1x320000xi32, #tpu.memory_space<hbm>> -> memref<320000xi32, #tpu.memory_space<hbm>>
    %dma_wait3A_102 = arith.constant 0 : i32
    %dma_wait3A_103 = tpu.memref_slice %dma_wait3A_101[%dma_wait3A_102] : memref<320000xi32, #tpu.memory_space<hbm>> -> memref<128xi32, #tpu.memory_space<hbm>>
    %dma_wait3A_104 = tpu.memref_slice %arg9[%dma_wait3A_91] : memref<2x!tpu.dma_semaphore, #tpu.memory_space<semaphore_mem>> -> memref<1x!tpu.dma_semaphore, #tpu.memory_space<semaphore_mem>>
    %dma_wait3A_105 = tpu.memref_squeeze %dma_wait3A_104 : memref<1x!tpu.dma_semaphore, #tpu.memory_space<semaphore_mem>> -> memref<!tpu.dma_semaphore, #tpu.memory_space<semaphore_mem>>
    %dma_wait3A_106 = arith.constant 0 : i32
    %dma_wait3A_107 = arith.constant 0 : i32
    %dma_wait3A_108 = tpu.memref_slice %arg5[%dma_wait3A_89, %dma_wait3A_106, %dma_wait3A_107] : memref<2x2x128xi32, #tpu.memory_space<vmem>> -> memref<1x2x128xi32, #tpu.memory_space<vmem>>
    %dma_wait3A_109 = tpu.memref_squeeze %dma_wait3A_108 : memref<1x2x128xi32, #tpu.memory_space<vmem>> -> memref<2x128xi32, #tpu.memory_space<vmem>>
    %dma_wait3A_110 = arith.constant 0 : i32
    %dma_wait3A_111 = tpu.memref_slice %dma_wait3A_109[%dma_wait3A_90, %dma_wait3A_110] : memref<2x128xi32, #tpu.memory_space<vmem>> -> memref<1x128xi32, #tpu.memory_space<vmem>>
    %dma_wait3A_112 = tpu.memref_squeeze %dma_wait3A_111 : memref<1x128xi32, #tpu.memory_space<vmem>> -> memref<128xi32, #tpu.memory_space<vmem>>
    %dma_wait3A_113 = arith.constant 0 : i32
    %dma_wait3A_114 = tpu.memref_slice %arg3[%dma_wait3A, %dma_wait3A_113] : memref<2x320000xi32, #tpu.memory_space<hbm>> -> memref<1x320000xi32, #tpu.memory_space<hbm>>
    %dma_wait3A_115 = tpu.memref_squeeze %dma_wait3A_114 : memref<1x320000xi32, #tpu.memory_space<hbm>> -> memref<320000xi32, #tpu.memory_space<hbm>>
    %dma_wait3A_116 = arith.constant 0 : i32
    %dma_wait3A_117 = tpu.memref_slice %dma_wait3A_115[%dma_wait3A_116] : memref<320000xi32, #tpu.memory_space<hbm>> -> memref<128xi32, #tpu.memory_space<hbm>>
    tpu.wait_dma2 semaphore(%dma_wait3A_105 : memref<!tpu.dma_semaphore, #tpu.memory_space<semaphore_mem>>) src(%dma_wait3A_117 : memref<128xi32, #tpu.memory_space<hbm>>) dst(%dma_wait3A_112 : memref<128xi32, #tpu.memory_space<vmem>>)
    %dma_wait3A_118 = arith.constant 1 : i32
    %dma_wait3A_119 = arith.constant 0 : i32
    %dma_wait3A_120 = arith.constant 1 : i32
    %dma_wait3A_121 = arith.constant 0 : i32
    %dma_wait3A_122 = arith.constant 0 : i32
    %dma_wait3A_123 = arith.constant 0 : i32
    %dma_wait3A_124 = tpu.memref_slice %arg5[%dma_wait3A_119, %dma_wait3A_122, %dma_wait3A_123] : memref<2x2x128xi32, #tpu.memory_space<vmem>> -> memref<1x2x128xi32, #tpu.memory_space<vmem>>
    %dma_wait3A_125 = tpu.memref_squeeze %dma_wait3A_124 : memref<1x2x128xi32, #tpu.memory_space<vmem>> -> memref<2x128xi32, #tpu.memory_space<vmem>>
    %dma_wait3A_126 = arith.constant 0 : i32
    %dma_wait3A_127 = tpu.memref_slice %dma_wait3A_125[%dma_wait3A_120, %dma_wait3A_126] : memref<2x128xi32, #tpu.memory_space<vmem>> -> memref<1x128xi32, #tpu.memory_space<vmem>>
    %dma_wait3A_128 = tpu.memref_squeeze %dma_wait3A_127 : memref<1x128xi32, #tpu.memory_space<vmem>> -> memref<128xi32, #tpu.memory_space<vmem>>
    %dma_wait3A_129 = arith.constant 0 : i32
    %dma_wait3A_130 = tpu.memref_slice %arg3[%dma_wait3A_118, %dma_wait3A_129] : memref<2x320000xi32, #tpu.memory_space<hbm>> -> memref<1x320000xi32, #tpu.memory_space<hbm>>
    %dma_wait3A_131 = tpu.memref_squeeze %dma_wait3A_130 : memref<1x320000xi32, #tpu.memory_space<hbm>> -> memref<320000xi32, #tpu.memory_space<hbm>>
    %dma_wait3A_132 = arith.constant 0 : i32
    %dma_wait3A_133 = tpu.memref_slice %dma_wait3A_131[%dma_wait3A_132] : memref<320000xi32, #tpu.memory_space<hbm>> -> memref<128xi32, #tpu.memory_space<hbm>>
    %dma_wait3A_134 = tpu.memref_slice %arg9[%dma_wait3A_121] : memref<2x!tpu.dma_semaphore, #tpu.memory_space<semaphore_mem>> -> memref<1x!tpu.dma_semaphore, #tpu.memory_space<semaphore_mem>>
    %dma_wait3A_135 = tpu.memref_squeeze %dma_wait3A_134 : memref<1x!tpu.dma_semaphore, #tpu.memory_space<semaphore_mem>> -> memref<!tpu.dma_semaphore, #tpu.memory_space<semaphore_mem>>
    %dma_wait3A_136 = arith.constant 0 : i32
    %dma_wait3A_137 = arith.constant 0 : i32
    %dma_wait3A_138 = tpu.memref_slice %arg5[%dma_wait3A_119, %dma_wait3A_136, %dma_wait3A_137] : memref<2x2x128xi32, #tpu.memory_space<vmem>> -> memref<1x2x128xi32, #tpu.memory_space<vmem>>
    %dma_wait3A_139 = tpu.memref_squeeze %dma_wait3A_138 : memref<1x2x128xi32, #tpu.memory_space<vmem>> -> memref<2x128xi32, #tpu.memory_space<vmem>>
    %dma_wait3A_140 = arith.constant 0 : i32
    %dma_wait3A_141 = tpu.memref_slice %dma_wait3A_139[%dma_wait3A_120, %dma_wait3A_140] : memref<2x128xi32, #tpu.memory_space<vmem>> -> memref<1x128xi32, #tpu.memory_space<vmem>>
    %dma_wait3A_142 = tpu.memref_squeeze %dma_wait3A_141 : memref<1x128xi32, #tpu.memory_space<vmem>> -> memref<128xi32, #tpu.memory_space<vmem>>
    %dma_wait3A_143 = arith.constant 0 : i32
    %dma_wait3A_144 = tpu.memref_slice %arg3[%dma_wait3A_118, %dma_wait3A_143] : memref<2x320000xi32, #tpu.memory_space<hbm>> -> memref<1x320000xi32, #tpu.memory_space<hbm>>
    %dma_wait3A_145 = tpu.memref_squeeze %dma_wait3A_144 : memref<1x320000xi32, #tpu.memory_space<hbm>> -> memref<320000xi32, #tpu.memory_space<hbm>>
    %dma_wait3A_146 = arith.constant 0 : i32
    %dma_wait3A_147 = tpu.memref_slice %dma_wait3A_145[%dma_wait3A_146] : memref<320000xi32, #tpu.memory_space<hbm>> -> memref<128xi32, #tpu.memory_space<hbm>>
    tpu.wait_dma2 semaphore(%dma_wait3A_135 : memref<!tpu.dma_semaphore, #tpu.memory_space<semaphore_mem>>) src(%dma_wait3A_147 : memref<128xi32, #tpu.memory_space<hbm>>) dst(%dma_wait3A_142 : memref<128xi32, #tpu.memory_space<vmem>>)
    %scan3A_148 = arith.constant 0 : i32
    %scan3A_149 = arith.constant 40 : i32
    %scan3A_150 = arith.addi %scan3A_148, %scan3A_149 : i32
    %scan3A_151 = arith.constant 1 : i32
    scf.for %scan3A_162 = %scan3A_148 to %scan3A_150 step %scan3A_151  : i32 {
      %mul3A_163 = arith.constant 2 : i32
      %mul3A_164 = arith.muli %scan3A_162, %mul3A_163 : i32
      %add3A_165 = arith.constant 0 : i32
      %add3A_166 = arith.addi %add3A_165, %mul3A_164 : i32
      %add3A_167 = arith.constant 0 : i32
      %add3A_168 = arith.addi %add3A_166, %add3A_167 : i32
      %lt3A_169 = arith.cmpi slt, %add3A_168, %select_n3A_8 : i32
      %convert_element_type3A_170 = arith.extui %lt3A_169 : i1 to i32
      %cond3A_171 = arith.constant 1 : i32
      %cond3A_172 = arith.constant 0 : i32
      %cond3A_173 = arith.constant 0 : i32
      %cond3A_174 = arith.cmpi ne, %convert_element_type3A_170, %cond3A_173 : i32
      scf.if %cond3A_174 {
        %add3A_183 = arith.constant 0 : i32
        %add3A_184 = arith.addi %add3A_166, %add3A_183 : i32
        %add3A_185 = arith.constant 1 : i32
        %add3A_186 = arith.addi %add3A_184, %add3A_185 : i32
        %lt3A_187 = arith.cmpi slt, %add3A_186, %select_n3A_8 : i32
        %convert_element_type3A_188 = arith.extui %lt3A_187 : i1 to i32
        %cond3A_189 = arith.constant 0 : i32
        %cond3A_190 = arith.cmpi ne, %convert_element_type3A_188, %cond3A_189 : i32
        scf.if %cond3A_190 {
          %add3A_227 = arith.constant 0 : i32
          %add3A_228 = arith.addi %add3A_166, %add3A_227 : i32
          %add3A_229 = arith.constant 1 : i32
          %add3A_230 = arith.addi %add3A_228, %add3A_229 : i32
          %add3A_231 = arith.addi %select_n3A_20, %add3A_230 : i32
          %mul3A_232 = arith.constant 128 : i32
          %mul3A_233 = arith.muli %add3A_231, %mul3A_232 : i32
          %dma_start3A_234 = arith.constant 0 : i32
          %dma_start3A_235 = arith.constant 0 : i32
          %dma_start3A_236 = arith.constant 1 : i32
          %dma_start3A_237 = arith.constant 0 : i32
          %dma_start3A_238 = arith.constant 0 : i32
          %dma_start3A_239 = tpu.memref_slice %arg5[%cond3A_171, %dma_start3A_237, %dma_start3A_238] : memref<2x2x128xi32, #tpu.memory_space<vmem>> -> memref<1x2x128xi32, #tpu.memory_space<vmem>>
          %dma_start3A_240 = tpu.memref_squeeze %dma_start3A_239 : memref<1x2x128xi32, #tpu.memory_space<vmem>> -> memref<2x128xi32, #tpu.memory_space<vmem>>
          %dma_start3A_241 = arith.constant 0 : i32
          %dma_start3A_242 = tpu.memref_slice %dma_start3A_240[%dma_start3A_235, %dma_start3A_241] : memref<2x128xi32, #tpu.memory_space<vmem>> -> memref<1x128xi32, #tpu.memory_space<vmem>>
          %dma_start3A_243 = tpu.memref_squeeze %dma_start3A_242 : memref<1x128xi32, #tpu.memory_space<vmem>> -> memref<128xi32, #tpu.memory_space<vmem>>
          %dma_start3A_244 = arith.constant 0 : i32
          %dma_start3A_245 = tpu.memref_slice %arg3[%dma_start3A_234, %dma_start3A_244] : memref<2x320000xi32, #tpu.memory_space<hbm>> -> memref<1x320000xi32, #tpu.memory_space<hbm>>
          %dma_start3A_246 = tpu.memref_squeeze %dma_start3A_245 : memref<1x320000xi32, #tpu.memory_space<hbm>> -> memref<320000xi32, #tpu.memory_space<hbm>>
          %dma_start3A_247 = tpu.memref_slice %dma_start3A_246[%mul3A_233] : memref<320000xi32, #tpu.memory_space<hbm>> -> memref<128xi32, #tpu.memory_space<hbm>>
          %dma_start3A_248 = tpu.memref_slice %arg9[%dma_start3A_236] : memref<2x!tpu.dma_semaphore, #tpu.memory_space<semaphore_mem>> -> memref<1x!tpu.dma_semaphore, #tpu.memory_space<semaphore_mem>>
          %dma_start3A_249 = tpu.memref_squeeze %dma_start3A_248 : memref<1x!tpu.dma_semaphore, #tpu.memory_space<semaphore_mem>> -> memref<!tpu.dma_semaphore, #tpu.memory_space<semaphore_mem>>
          %dma_start3A_250 = arith.constant 0 : i32
          %dma_start3A_251 = arith.constant 0 : i32
          %dma_start3A_252 = tpu.memref_slice %arg5[%cond3A_171, %dma_start3A_250, %dma_start3A_251] : memref<2x2x128xi32, #tpu.memory_space<vmem>> -> memref<1x2x128xi32, #tpu.memory_space<vmem>>
          %dma_start3A_253 = tpu.memref_squeeze %dma_start3A_252 : memref<1x2x128xi32, #tpu.memory_space<vmem>> -> memref<2x128xi32, #tpu.memory_space<vmem>>
          %dma_start3A_254 = arith.constant 0 : i32
          %dma_start3A_255 = tpu.memref_slice %dma_start3A_253[%dma_start3A_235, %dma_start3A_254] : memref<2x128xi32, #tpu.memory_space<vmem>> -> memref<1x128xi32, #tpu.memory_space<vmem>>
          %dma_start3A_256 = tpu.memref_squeeze %dma_start3A_255 : memref<1x128xi32, #tpu.memory_space<vmem>> -> memref<128xi32, #tpu.memory_space<vmem>>
          %dma_start3A_257 = arith.constant 0 : i32
          %dma_start3A_258 = tpu.memref_slice %arg3[%dma_start3A_234, %dma_start3A_257] : memref<2x320000xi32, #tpu.memory_space<hbm>> -> memref<1x320000xi32, #tpu.memory_space<hbm>>
          %dma_start3A_259 = tpu.memref_squeeze %dma_start3A_258 : memref<1x320000xi32, #tpu.memory_space<hbm>> -> memref<320000xi32, #tpu.memory_space<hbm>>
          %dma_start3A_260 = tpu.memref_slice %dma_start3A_259[%mul3A_233] : memref<320000xi32, #tpu.memory_space<hbm>> -> memref<128xi32, #tpu.memory_space<hbm>>
          tpu.enqueue_dma source(%dma_start3A_260 : memref<128xi32, #tpu.memory_space<hbm>>) target(%dma_start3A_256 : memref<128xi32, #tpu.memory_space<vmem>>) target_semaphore(%dma_start3A_249 : memref<!tpu.dma_semaphore, #tpu.memory_space<semaphore_mem>>)
          %dma_start3A_261 = arith.constant 1 : i32
          %dma_start3A_262 = arith.constant 1 : i32
          %dma_start3A_263 = arith.constant 1 : i32
          %dma_start3A_264 = arith.constant 0 : i32
          %dma_start3A_265 = arith.constant 0 : i32
          %dma_start3A_266 = tpu.memref_slice %arg5[%cond3A_171, %dma_start3A_264, %dma_start3A_265] : memref<2x2x128xi32, #tpu.memory_space<vmem>> -> memref<1x2x128xi32, #tpu.memory_space<vmem>>
          %dma_start3A_267 = tpu.memref_squeeze %dma_start3A_266 : memref<1x2x128xi32, #tpu.memory_space<vmem>> -> memref<2x128xi32, #tpu.memory_space<vmem>>
          %dma_start3A_268 = arith.constant 0 : i32
          %dma_start3A_269 = tpu.memref_slice %dma_start3A_267[%dma_start3A_262, %dma_start3A_268] : memref<2x128xi32, #tpu.memory_space<vmem>> -> memref<1x128xi32, #tpu.memory_space<vmem>>
          %dma_start3A_270 = tpu.memref_squeeze %dma_start3A_269 : memref<1x128xi32, #tpu.memory_space<vmem>> -> memref<128xi32, #tpu.memory_space<vmem>>
          %dma_start3A_271 = arith.constant 0 : i32
          %dma_start3A_272 = tpu.memref_slice %arg3[%dma_start3A_261, %dma_start3A_271] : memref<2x320000xi32, #tpu.memory_space<hbm>> -> memref<1x320000xi32, #tpu.memory_space<hbm>>
          %dma_start3A_273 = tpu.memref_squeeze %dma_start3A_272 : memref<1x320000xi32, #tpu.memory_space<hbm>> -> memref<320000xi32, #tpu.memory_space<hbm>>
          %dma_start3A_274 = tpu.memref_slice %dma_start3A_273[%mul3A_233] : memref<320000xi32, #tpu.memory_space<hbm>> -> memref<128xi32, #tpu.memory_space<hbm>>
          %dma_start3A_275 = tpu.memref_slice %arg9[%dma_start3A_263] : memref<2x!tpu.dma_semaphore, #tpu.memory_space<semaphore_mem>> -> memref<1x!tpu.dma_semaphore, #tpu.memory_space<semaphore_mem>>
          %dma_start3A_276 = tpu.memref_squeeze %dma_start3A_275 : memref<1x!tpu.dma_semaphore, #tpu.memory_space<semaphore_mem>> -> memref<!tpu.dma_semaphore, #tpu.memory_space<semaphore_mem>>
          %dma_start3A_277 = arith.constant 0 : i32
          %dma_start3A_278 = arith.constant 0 : i32
          %dma_start3A_279 = tpu.memref_slice %arg5[%cond3A_171, %dma_start3A_277, %dma_start3A_278] : memref<2x2x128xi32, #tpu.memory_space<vmem>> -> memref<1x2x128xi32, #tpu.memory_space<vmem>>
          %dma_start3A_280 = tpu.memref_squeeze %dma_start3A_279 : memref<1x2x128xi32, #tpu.memory_space<vmem>> -> memref<2x128xi32, #tpu.memory_space<vmem>>
          %dma_start3A_281 = arith.constant 0 : i32
          %dma_start3A_282 = tpu.memref_slice %dma_start3A_280[%dma_start3A_262, %dma_start3A_281] : memref<2x128xi32, #tpu.memory_space<vmem>> -> memref<1x128xi32, #tpu.memory_space<vmem>>
          %dma_start3A_283 = tpu.memref_squeeze %dma_start3A_282 : memref<1x128xi32, #tpu.memory_space<vmem>> -> memref<128xi32, #tpu.memory_space<vmem>>
          %dma_start3A_284 = arith.constant 0 : i32
          %dma_start3A_285 = tpu.memref_slice %arg3[%dma_start3A_261, %dma_start3A_284] : memref<2x320000xi32, #tpu.memory_space<hbm>> -> memref<1x320000xi32, #tpu.memory_space<hbm>>
          %dma_start3A_286 = tpu.memref_squeeze %dma_start3A_285 : memref<1x320000xi32, #tpu.memory_space<hbm>> -> memref<320000xi32, #tpu.memory_space<hbm>>
          %dma_start3A_287 = tpu.memref_slice %dma_start3A_286[%mul3A_233] : memref<320000xi32, #tpu.memory_space<hbm>> -> memref<128xi32, #tpu.memory_space<hbm>>
          tpu.enqueue_dma source(%dma_start3A_287 : memref<128xi32, #tpu.memory_space<hbm>>) target(%dma_start3A_283 : memref<128xi32, #tpu.memory_space<vmem>>) target_semaphore(%dma_start3A_276 : memref<!tpu.dma_semaphore, #tpu.memory_space<semaphore_mem>>)
        } else {
        }
        %dma_start3A_191 = arith.constant 0 : i32
        %dma_start3A_192 = arith.constant 0 : i32
        %dma_start3A_193 = arith.constant 0 : i32
        %dma_start3A_194 = arith.constant 0 : i32
        %dma_start3A_195 = tpu.memref_slice %arg5[%cond3A_172, %dma_start3A_193, %dma_start3A_194] : memref<2x2x128xi32, #tpu.memory_space<vmem>> -> memref<1x2x128xi32, #tpu.memory_space<vmem>>
        %dma_start3A_196 = tpu.memref_squeeze %dma_start3A_195 : memref<1x2x128xi32, #tpu.memory_space<vmem>> -> memref<2x128xi32, #tpu.memory_space<vmem>>
        %dma_start3A_197 = arith.constant 0 : i32
        %dma_start3A_198 = tpu.memref_slice %dma_start3A_196[%dma_start3A_191, %dma_start3A_197] : memref<2x128xi32, #tpu.memory_space<vmem>> -> memref<1x128xi32, #tpu.memory_space<vmem>>
        %dma_start3A_199 = tpu.memref_squeeze %dma_start3A_198 : memref<1x128xi32, #tpu.memory_space<vmem>> -> memref<128xi32, #tpu.memory_space<vmem>>
        %dma_start3A_200 = arith.constant 0 : i32
        %dma_start3A_201 = arith.constant 0 : i32
        %dma_start3A_202 = tpu.memref_slice %arg2[%dma_start3A_200, %dma_start3A_201] : memref<10000x128xf32, #tpu.memory_space<hbm>> -> memref<10000x128xf32, #tpu.memory_space<hbm>>
        %dma_start3A_203 = tpu.memref_slice %arg8[%dma_start3A_192] : memref<1x!tpu.dma_semaphore, #tpu.memory_space<semaphore_mem>> -> memref<1x!tpu.dma_semaphore, #tpu.memory_space<semaphore_mem>>
        %dma_start3A_204 = tpu.memref_squeeze %dma_start3A_203 : memref<1x!tpu.dma_semaphore, #tpu.memory_space<semaphore_mem>> -> memref<!tpu.dma_semaphore, #tpu.memory_space<semaphore_mem>>
        tpu.enqueue_indirect_dma source(%dma_start3A_202 : memref<10000x128xf32, #tpu.memory_space<hbm>>) target(%arg6 : memref<128x128xf32, #tpu.memory_space<vmem>>) offsets(%dma_start3A_199 : memref<128xi32, #tpu.memory_space<vmem>>) semaphore(%dma_start3A_204 : memref<!tpu.dma_semaphore, #tpu.memory_space<semaphore_mem>>)
        %dma_wait3A_205 = arith.constant 0 : i32
        %dma_wait3A_206 = arith.constant 0 : i32
        %dma_wait3A_207 = arith.constant 0 : i32
        %dma_wait3A_208 = arith.constant 0 : i32
        %dma_wait3A_209 = tpu.memref_slice %arg5[%cond3A_172, %dma_wait3A_207, %dma_wait3A_208] : memref<2x2x128xi32, #tpu.memory_space<vmem>> -> memref<1x2x128xi32, #tpu.memory_space<vmem>>
        %dma_wait3A_210 = tpu.memref_squeeze %dma_wait3A_209 : memref<1x2x128xi32, #tpu.memory_space<vmem>> -> memref<2x128xi32, #tpu.memory_space<vmem>>
        %dma_wait3A_211 = arith.constant 0 : i32
        %dma_wait3A_212 = tpu.memref_slice %dma_wait3A_210[%dma_wait3A_205, %dma_wait3A_211] : memref<2x128xi32, #tpu.memory_space<vmem>> -> memref<1x128xi32, #tpu.memory_space<vmem>>
        %dma_wait3A_213 = tpu.memref_squeeze %dma_wait3A_212 : memref<1x128xi32, #tpu.memory_space<vmem>> -> memref<128xi32, #tpu.memory_space<vmem>>
        %dma_wait3A_214 = arith.constant 0 : i32
        %dma_wait3A_215 = arith.constant 0 : i32
        %dma_wait3A_216 = tpu.memref_slice %arg2[%dma_wait3A_214, %dma_wait3A_215] : memref<10000x128xf32, #tpu.memory_space<hbm>> -> memref<10000x128xf32, #tpu.memory_space<hbm>>
        %dma_wait3A_217 = tpu.memref_slice %arg8[%dma_wait3A_206] : memref<1x!tpu.dma_semaphore, #tpu.memory_space<semaphore_mem>> -> memref<1x!tpu.dma_semaphore, #tpu.memory_space<semaphore_mem>>
        %dma_wait3A_218 = tpu.memref_squeeze %dma_wait3A_217 : memref<1x!tpu.dma_semaphore, #tpu.memory_space<semaphore_mem>> -> memref<!tpu.dma_semaphore, #tpu.memory_space<semaphore_mem>>
        tpu.wait_indirect_dma semaphore(%dma_wait3A_218 : memref<!tpu.dma_semaphore, #tpu.memory_space<semaphore_mem>>) src(%dma_wait3A_216 : memref<10000x128xf32, #tpu.memory_space<hbm>>) dst(%arg6 : memref<128x128xf32, #tpu.memory_space<vmem>>)
        %run_scoped3A = arith.constant 1 : i32
        "tpu.region"() ({
          %run_scoped3A_227 = tpu.sem_alloc : memref<!tpu.dma_semaphore, #tpu.memory_space<semaphore_mem>>
          %dma_start3A_228 = arith.constant 0 : i32
          %dma_start3A_229 = arith.constant 0 : i32
          %dma_start3A_230 = tpu.memref_slice %arg5[%cond3A_172, %dma_start3A_228, %dma_start3A_229] : memref<2x2x128xi32, #tpu.memory_space<vmem>> -> memref<1x2x128xi32, #tpu.memory_space<vmem>>
          %dma_start3A_231 = tpu.memref_squeeze %dma_start3A_230 : memref<1x2x128xi32, #tpu.memory_space<vmem>> -> memref<2x128xi32, #tpu.memory_space<vmem>>
          %dma_start3A_232 = arith.constant 0 : i32
          %dma_start3A_233 = tpu.memref_slice %dma_start3A_231[%run_scoped3A, %dma_start3A_232] : memref<2x128xi32, #tpu.memory_space<vmem>> -> memref<1x128xi32, #tpu.memory_space<vmem>>
          %dma_start3A_234 = tpu.memref_squeeze %dma_start3A_233 : memref<1x128xi32, #tpu.memory_space<vmem>> -> memref<128xi32, #tpu.memory_space<vmem>>
          %dma_start3A_235 = arith.constant 0 : i32
          %dma_start3A_236 = arith.constant 0 : i32
          %dma_start3A_237 = tpu.memref_slice %arg7[%dma_start3A_235, %dma_start3A_236] : memref<10240x128xf32, #tpu.memory_space<vmem_shared>> -> memref<10240x128xf32, #tpu.memory_space<vmem_shared>>
          tpu.enqueue_indirect_dma source(%arg6 : memref<128x128xf32, #tpu.memory_space<vmem>>) target(%dma_start3A_237 : memref<10240x128xf32, #tpu.memory_space<vmem_shared>>) offsets(%dma_start3A_234 : memref<128xi32, #tpu.memory_space<vmem>>) semaphore(%run_scoped3A_227 : memref<!tpu.dma_semaphore, #tpu.memory_space<semaphore_mem>>) {add = true}
          %dma_wait3A_238 = arith.constant 0 : i32
          %dma_wait3A_239 = arith.constant 0 : i32
          %dma_wait3A_240 = tpu.memref_slice %arg5[%cond3A_172, %dma_wait3A_238, %dma_wait3A_239] : memref<2x2x128xi32, #tpu.memory_space<vmem>> -> memref<1x2x128xi32, #tpu.memory_space<vmem>>
          %dma_wait3A_241 = tpu.memref_squeeze %dma_wait3A_240 : memref<1x2x128xi32, #tpu.memory_space<vmem>> -> memref<2x128xi32, #tpu.memory_space<vmem>>
          %dma_wait3A_242 = arith.constant 0 : i32
          %dma_wait3A_243 = tpu.memref_slice %dma_wait3A_241[%run_scoped3A, %dma_wait3A_242] : memref<2x128xi32, #tpu.memory_space<vmem>> -> memref<1x128xi32, #tpu.memory_space<vmem>>
          %dma_wait3A_244 = tpu.memref_squeeze %dma_wait3A_243 : memref<1x128xi32, #tpu.memory_space<vmem>> -> memref<128xi32, #tpu.memory_space<vmem>>
          %dma_wait3A_245 = arith.constant 0 : i32
          %dma_wait3A_246 = arith.constant 0 : i32
          %dma_wait3A_247 = tpu.memref_slice %arg7[%dma_wait3A_245, %dma_wait3A_246] : memref<10240x128xf32, #tpu.memory_space<vmem_shared>> -> memref<10240x128xf32, #tpu.memory_space<vmem_shared>>
          tpu.wait_indirect_dma semaphore(%run_scoped3A_227 : memref<!tpu.dma_semaphore, #tpu.memory_space<semaphore_mem>>) src(%arg6 : memref<128x128xf32, #tpu.memory_space<vmem>>) dst(%dma_wait3A_247 : memref<10240x128xf32, #tpu.memory_space<vmem_shared>>)
          tpu.yield
        }) : () -> ()
        %add3A_219 = arith.constant 0 : i32
        %add3A_220 = arith.addi %add3A_166, %add3A_219 : i32
        %add3A_221 = arith.constant 1 : i32
        %add3A_222 = arith.addi %add3A_220, %add3A_221 : i32
        %lt3A_223 = arith.cmpi slt, %add3A_222, %select_n3A_8 : i32
        %convert_element_type3A_224 = arith.extui %lt3A_223 : i1 to i32
        %cond3A_225 = arith.constant 0 : i32
        %cond3A_226 = arith.cmpi ne, %convert_element_type3A_224, %cond3A_225 : i32
        scf.if %cond3A_226 {
          %dma_wait3A_227 = arith.constant 0 : i32
          %dma_wait3A_228 = arith.constant 0 : i32
          %dma_wait3A_229 = arith.constant 1 : i32
          %dma_wait3A_230 = arith.constant 0 : i32
          %dma_wait3A_231 = arith.constant 0 : i32
          %dma_wait3A_232 = tpu.memref_slice %arg5[%cond3A_171, %dma_wait3A_230, %dma_wait3A_231] : memref<2x2x128xi32, #tpu.memory_space<vmem>> -> memref<1x2x128xi32, #tpu.memory_space<vmem>>
          %dma_wait3A_233 = tpu.memref_squeeze %dma_wait3A_232 : memref<1x2x128xi32, #tpu.memory_space<vmem>> -> memref<2x128xi32, #tpu.memory_space<vmem>>
          %dma_wait3A_234 = arith.constant 0 : i32
          %dma_wait3A_235 = tpu.memref_slice %dma_wait3A_233[%dma_wait3A_228, %dma_wait3A_234] : memref<2x128xi32, #tpu.memory_space<vmem>> -> memref<1x128xi32, #tpu.memory_space<vmem>>
          %dma_wait3A_236 = tpu.memref_squeeze %dma_wait3A_235 : memref<1x128xi32, #tpu.memory_space<vmem>> -> memref<128xi32, #tpu.memory_space<vmem>>
          %dma_wait3A_237 = arith.constant 0 : i32
          %dma_wait3A_238 = tpu.memref_slice %arg3[%dma_wait3A_227, %dma_wait3A_237] : memref<2x320000xi32, #tpu.memory_space<hbm>> -> memref<1x320000xi32, #tpu.memory_space<hbm>>
          %dma_wait3A_239 = tpu.memref_squeeze %dma_wait3A_238 : memref<1x320000xi32, #tpu.memory_space<hbm>> -> memref<320000xi32, #tpu.memory_space<hbm>>
          %dma_wait3A_240 = arith.constant 0 : i32
          %dma_wait3A_241 = tpu.memref_slice %dma_wait3A_239[%dma_wait3A_240] : memref<320000xi32, #tpu.memory_space<hbm>> -> memref<128xi32, #tpu.memory_space<hbm>>
          %dma_wait3A_242 = tpu.memref_slice %arg9[%dma_wait3A_229] : memref<2x!tpu.dma_semaphore, #tpu.memory_space<semaphore_mem>> -> memref<1x!tpu.dma_semaphore, #tpu.memory_space<semaphore_mem>>
          %dma_wait3A_243 = tpu.memref_squeeze %dma_wait3A_242 : memref<1x!tpu.dma_semaphore, #tpu.memory_space<semaphore_mem>> -> memref<!tpu.dma_semaphore, #tpu.memory_space<semaphore_mem>>
          %dma_wait3A_244 = arith.constant 0 : i32
          %dma_wait3A_245 = arith.constant 0 : i32
          %dma_wait3A_246 = tpu.memref_slice %arg5[%cond3A_171, %dma_wait3A_244, %dma_wait3A_245] : memref<2x2x128xi32, #tpu.memory_space<vmem>> -> memref<1x2x128xi32, #tpu.memory_space<vmem>>
          %dma_wait3A_247 = tpu.memref_squeeze %dma_wait3A_246 : memref<1x2x128xi32, #tpu.memory_space<vmem>> -> memref<2x128xi32, #tpu.memory_space<vmem>>
          %dma_wait3A_248 = arith.constant 0 : i32
          %dma_wait3A_249 = tpu.memref_slice %dma_wait3A_247[%dma_wait3A_228, %dma_wait3A_248] : memref<2x128xi32, #tpu.memory_space<vmem>> -> memref<1x128xi32, #tpu.memory_space<vmem>>
          %dma_wait3A_250 = tpu.memref_squeeze %dma_wait3A_249 : memref<1x128xi32, #tpu.memory_space<vmem>> -> memref<128xi32, #tpu.memory_space<vmem>>
          %dma_wait3A_251 = arith.constant 0 : i32
          %dma_wait3A_252 = tpu.memref_slice %arg3[%dma_wait3A_227, %dma_wait3A_251] : memref<2x320000xi32, #tpu.memory_space<hbm>> -> memref<1x320000xi32, #tpu.memory_space<hbm>>
          %dma_wait3A_253 = tpu.memref_squeeze %dma_wait3A_252 : memref<1x320000xi32, #tpu.memory_space<hbm>> -> memref<320000xi32, #tpu.memory_space<hbm>>
          %dma_wait3A_254 = arith.constant 0 : i32
          %dma_wait3A_255 = tpu.memref_slice %dma_wait3A_253[%dma_wait3A_254] : memref<320000xi32, #tpu.memory_space<hbm>> -> memref<128xi32, #tpu.memory_space<hbm>>
          tpu.wait_dma2 semaphore(%dma_wait3A_243 : memref<!tpu.dma_semaphore, #tpu.memory_space<semaphore_mem>>) src(%dma_wait3A_255 : memref<128xi32, #tpu.memory_space<hbm>>) dst(%dma_wait3A_250 : memref<128xi32, #tpu.memory_space<vmem>>)
          %dma_wait3A_256 = arith.constant 1 : i32
          %dma_wait3A_257 = arith.constant 1 : i32
          %dma_wait3A_258 = arith.constant 1 : i32
          %dma_wait3A_259 = arith.constant 0 : i32
          %dma_wait3A_260 = arith.constant 0 : i32
          %dma_wait3A_261 = tpu.memref_slice %arg5[%cond3A_171, %dma_wait3A_259, %dma_wait3A_260] : memref<2x2x128xi32, #tpu.memory_space<vmem>> -> memref<1x2x128xi32, #tpu.memory_space<vmem>>
          %dma_wait3A_262 = tpu.memref_squeeze %dma_wait3A_261 : memref<1x2x128xi32, #tpu.memory_space<vmem>> -> memref<2x128xi32, #tpu.memory_space<vmem>>
          %dma_wait3A_263 = arith.constant 0 : i32
          %dma_wait3A_264 = tpu.memref_slice %dma_wait3A_262[%dma_wait3A_257, %dma_wait3A_263] : memref<2x128xi32, #tpu.memory_space<vmem>> -> memref<1x128xi32, #tpu.memory_space<vmem>>
          %dma_wait3A_265 = tpu.memref_squeeze %dma_wait3A_264 : memref<1x128xi32, #tpu.memory_space<vmem>> -> memref<128xi32, #tpu.memory_space<vmem>>
          %dma_wait3A_266 = arith.constant 0 : i32
          %dma_wait3A_267 = tpu.memref_slice %arg3[%dma_wait3A_256, %dma_wait3A_266] : memref<2x320000xi32, #tpu.memory_space<hbm>> -> memref<1x320000xi32, #tpu.memory_space<hbm>>
          %dma_wait3A_268 = tpu.memref_squeeze %dma_wait3A_267 : memref<1x320000xi32, #tpu.memory_space<hbm>> -> memref<320000xi32, #tpu.memory_space<hbm>>
          %dma_wait3A_269 = arith.constant 0 : i32
          %dma_wait3A_270 = tpu.memref_slice %dma_wait3A_268[%dma_wait3A_269] : memref<320000xi32, #tpu.memory_space<hbm>> -> memref<128xi32, #tpu.memory_space<hbm>>
          %dma_wait3A_271 = tpu.memref_slice %arg9[%dma_wait3A_258] : memref<2x!tpu.dma_semaphore, #tpu.memory_space<semaphore_mem>> -> memref<1x!tpu.dma_semaphore, #tpu.memory_space<semaphore_mem>>
          %dma_wait3A_272 = tpu.memref_squeeze %dma_wait3A_271 : memref<1x!tpu.dma_semaphore, #tpu.memory_space<semaphore_mem>> -> memref<!tpu.dma_semaphore, #tpu.memory_space<semaphore_mem>>
          %dma_wait3A_273 = arith.constant 0 : i32
          %dma_wait3A_274 = arith.constant 0 : i32
          %dma_wait3A_275 = tpu.memref_slice %arg5[%cond3A_171, %dma_wait3A_273, %dma_wait3A_274] : memref<2x2x128xi32, #tpu.memory_space<vmem>> -> memref<1x2x128xi32, #tpu.memory_space<vmem>>
          %dma_wait3A_276 = tpu.memref_squeeze %dma_wait3A_275 : memref<1x2x128xi32, #tpu.memory_space<vmem>> -> memref<2x128xi32, #tpu.memory_space<vmem>>
          %dma_wait3A_277 = arith.constant 0 : i32
          %dma_wait3A_278 = tpu.memref_slice %dma_wait3A_276[%dma_wait3A_257, %dma_wait3A_277] : memref<2x128xi32, #tpu.memory_space<vmem>> -> memref<1x128xi32, #tpu.memory_space<vmem>>
          %dma_wait3A_279 = tpu.memref_squeeze %dma_wait3A_278 : memref<1x128xi32, #tpu.memory_space<vmem>> -> memref<128xi32, #tpu.memory_space<vmem>>
          %dma_wait3A_280 = arith.constant 0 : i32
          %dma_wait3A_281 = tpu.memref_slice %arg3[%dma_wait3A_256, %dma_wait3A_280] : memref<2x320000xi32, #tpu.memory_space<hbm>> -> memref<1x320000xi32, #tpu.memory_space<hbm>>
          %dma_wait3A_282 = tpu.memref_squeeze %dma_wait3A_281 : memref<1x320000xi32, #tpu.memory_space<hbm>> -> memref<320000xi32, #tpu.memory_space<hbm>>
          %dma_wait3A_283 = arith.constant 0 : i32
          %dma_wait3A_284 = tpu.memref_slice %dma_wait3A_282[%dma_wait3A_283] : memref<320000xi32, #tpu.memory_space<hbm>> -> memref<128xi32, #tpu.memory_space<hbm>>
          tpu.wait_dma2 semaphore(%dma_wait3A_272 : memref<!tpu.dma_semaphore, #tpu.memory_space<semaphore_mem>>) src(%dma_wait3A_284 : memref<128xi32, #tpu.memory_space<hbm>>) dst(%dma_wait3A_279 : memref<128xi32, #tpu.memory_space<vmem>>)
        } else {
        }
      } else {
      }
      %add3A_175 = arith.constant 1 : i32
      %add3A_176 = arith.addi %add3A_166, %add3A_175 : i32
      %lt3A_177 = arith.cmpi slt, %add3A_176, %select_n3A_8 : i32
      %convert_element_type3A_178 = arith.extui %lt3A_177 : i1 to i32
      %cond3A_179 = arith.constant 0 : i32
      %cond3A_180 = arith.constant 1 : i32
      %cond3A_181 = arith.constant 0 : i32
      %cond3A_182 = arith.cmpi ne, %convert_element_type3A_178, %cond3A_181 : i32
      scf.if %cond3A_182 {
        %add3A_183 = arith.constant 1 : i32
        %add3A_184 = arith.addi %add3A_166, %add3A_183 : i32
        %add3A_185 = arith.constant 1 : i32
        %add3A_186 = arith.addi %add3A_184, %add3A_185 : i32
        %lt3A_187 = arith.cmpi slt, %add3A_186, %select_n3A_8 : i32
        %convert_element_type3A_188 = arith.extui %lt3A_187 : i1 to i32
        %cond3A_189 = arith.constant 0 : i32
        %cond3A_190 = arith.cmpi ne, %convert_element_type3A_188, %cond3A_189 : i32
        scf.if %cond3A_190 {
          %add3A_227 = arith.constant 1 : i32
          %add3A_228 = arith.addi %add3A_166, %add3A_227 : i32
          %add3A_229 = arith.constant 1 : i32
          %add3A_230 = arith.addi %add3A_228, %add3A_229 : i32
          %add3A_231 = arith.addi %select_n3A_20, %add3A_230 : i32
          %mul3A_232 = arith.constant 128 : i32
          %mul3A_233 = arith.muli %add3A_231, %mul3A_232 : i32
          %dma_start3A_234 = arith.constant 0 : i32
          %dma_start3A_235 = arith.constant 0 : i32
          %dma_start3A_236 = arith.constant 0 : i32
          %dma_start3A_237 = arith.constant 0 : i32
          %dma_start3A_238 = arith.constant 0 : i32
          %dma_start3A_239 = tpu.memref_slice %arg5[%cond3A_179, %dma_start3A_237, %dma_start3A_238] : memref<2x2x128xi32, #tpu.memory_space<vmem>> -> memref<1x2x128xi32, #tpu.memory_space<vmem>>
          %dma_start3A_240 = tpu.memref_squeeze %dma_start3A_239 : memref<1x2x128xi32, #tpu.memory_space<vmem>> -> memref<2x128xi32, #tpu.memory_space<vmem>>
          %dma_start3A_241 = arith.constant 0 : i32
          %dma_start3A_242 = tpu.memref_slice %dma_start3A_240[%dma_start3A_235, %dma_start3A_241] : memref<2x128xi32, #tpu.memory_space<vmem>> -> memref<1x128xi32, #tpu.memory_space<vmem>>
          %dma_start3A_243 = tpu.memref_squeeze %dma_start3A_242 : memref<1x128xi32, #tpu.memory_space<vmem>> -> memref<128xi32, #tpu.memory_space<vmem>>
          %dma_start3A_244 = arith.constant 0 : i32
          %dma_start3A_245 = tpu.memref_slice %arg3[%dma_start3A_234, %dma_start3A_244] : memref<2x320000xi32, #tpu.memory_space<hbm>> -> memref<1x320000xi32, #tpu.memory_space<hbm>>
          %dma_start3A_246 = tpu.memref_squeeze %dma_start3A_245 : memref<1x320000xi32, #tpu.memory_space<hbm>> -> memref<320000xi32, #tpu.memory_space<hbm>>
          %dma_start3A_247 = tpu.memref_slice %dma_start3A_246[%mul3A_233] : memref<320000xi32, #tpu.memory_space<hbm>> -> memref<128xi32, #tpu.memory_space<hbm>>
          %dma_start3A_248 = tpu.memref_slice %arg9[%dma_start3A_236] : memref<2x!tpu.dma_semaphore, #tpu.memory_space<semaphore_mem>> -> memref<1x!tpu.dma_semaphore, #tpu.memory_space<semaphore_mem>>
          %dma_start3A_249 = tpu.memref_squeeze %dma_start3A_248 : memref<1x!tpu.dma_semaphore, #tpu.memory_space<semaphore_mem>> -> memref<!tpu.dma_semaphore, #tpu.memory_space<semaphore_mem>>
          %dma_start3A_250 = arith.constant 0 : i32
          %dma_start3A_251 = arith.constant 0 : i32
          %dma_start3A_252 = tpu.memref_slice %arg5[%cond3A_179, %dma_start3A_250, %dma_start3A_251] : memref<2x2x128xi32, #tpu.memory_space<vmem>> -> memref<1x2x128xi32, #tpu.memory_space<vmem>>
          %dma_start3A_253 = tpu.memref_squeeze %dma_start3A_252 : memref<1x2x128xi32, #tpu.memory_space<vmem>> -> memref<2x128xi32, #tpu.memory_space<vmem>>
          %dma_start3A_254 = arith.constant 0 : i32
          %dma_start3A_255 = tpu.memref_slice %dma_start3A_253[%dma_start3A_235, %dma_start3A_254] : memref<2x128xi32, #tpu.memory_space<vmem>> -> memref<1x128xi32, #tpu.memory_space<vmem>>
          %dma_start3A_256 = tpu.memref_squeeze %dma_start3A_255 : memref<1x128xi32, #tpu.memory_space<vmem>> -> memref<128xi32, #tpu.memory_space<vmem>>
          %dma_start3A_257 = arith.constant 0 : i32
          %dma_start3A_258 = tpu.memref_slice %arg3[%dma_start3A_234, %dma_start3A_257] : memref<2x320000xi32, #tpu.memory_space<hbm>> -> memref<1x320000xi32, #tpu.memory_space<hbm>>
          %dma_start3A_259 = tpu.memref_squeeze %dma_start3A_258 : memref<1x320000xi32, #tpu.memory_space<hbm>> -> memref<320000xi32, #tpu.memory_space<hbm>>
          %dma_start3A_260 = tpu.memref_slice %dma_start3A_259[%mul3A_233] : memref<320000xi32, #tpu.memory_space<hbm>> -> memref<128xi32, #tpu.memory_space<hbm>>
          tpu.enqueue_dma source(%dma_start3A_260 : memref<128xi32, #tpu.memory_space<hbm>>) target(%dma_start3A_256 : memref<128xi32, #tpu.memory_space<vmem>>) target_semaphore(%dma_start3A_249 : memref<!tpu.dma_semaphore, #tpu.memory_space<semaphore_mem>>)
          %dma_start3A_261 = arith.constant 1 : i32
          %dma_start3A_262 = arith.constant 1 : i32
          %dma_start3A_263 = arith.constant 0 : i32
          %dma_start3A_264 = arith.constant 0 : i32
          %dma_start3A_265 = arith.constant 0 : i32
          %dma_start3A_266 = tpu.memref_slice %arg5[%cond3A_179, %dma_start3A_264, %dma_start3A_265] : memref<2x2x128xi32, #tpu.memory_space<vmem>> -> memref<1x2x128xi32, #tpu.memory_space<vmem>>
          %dma_start3A_267 = tpu.memref_squeeze %dma_start3A_266 : memref<1x2x128xi32, #tpu.memory_space<vmem>> -> memref<2x128xi32, #tpu.memory_space<vmem>>
          %dma_start3A_268 = arith.constant 0 : i32
          %dma_start3A_269 = tpu.memref_slice %dma_start3A_267[%dma_start3A_262, %dma_start3A_268] : memref<2x128xi32, #tpu.memory_space<vmem>> -> memref<1x128xi32, #tpu.memory_space<vmem>>
          %dma_start3A_270 = tpu.memref_squeeze %dma_start3A_269 : memref<1x128xi32, #tpu.memory_space<vmem>> -> memref<128xi32, #tpu.memory_space<vmem>>
          %dma_start3A_271 = arith.constant 0 : i32
          %dma_start3A_272 = tpu.memref_slice %arg3[%dma_start3A_261, %dma_start3A_271] : memref<2x320000xi32, #tpu.memory_space<hbm>> -> memref<1x320000xi32, #tpu.memory_space<hbm>>
          %dma_start3A_273 = tpu.memref_squeeze %dma_start3A_272 : memref<1x320000xi32, #tpu.memory_space<hbm>> -> memref<320000xi32, #tpu.memory_space<hbm>>
          %dma_start3A_274 = tpu.memref_slice %dma_start3A_273[%mul3A_233] : memref<320000xi32, #tpu.memory_space<hbm>> -> memref<128xi32, #tpu.memory_space<hbm>>
          %dma_start3A_275 = tpu.memref_slice %arg9[%dma_start3A_263] : memref<2x!tpu.dma_semaphore, #tpu.memory_space<semaphore_mem>> -> memref<1x!tpu.dma_semaphore, #tpu.memory_space<semaphore_mem>>
          %dma_start3A_276 = tpu.memref_squeeze %dma_start3A_275 : memref<1x!tpu.dma_semaphore, #tpu.memory_space<semaphore_mem>> -> memref<!tpu.dma_semaphore, #tpu.memory_space<semaphore_mem>>
          %dma_start3A_277 = arith.constant 0 : i32
          %dma_start3A_278 = arith.constant 0 : i32
          %dma_start3A_279 = tpu.memref_slice %arg5[%cond3A_179, %dma_start3A_277, %dma_start3A_278] : memref<2x2x128xi32, #tpu.memory_space<vmem>> -> memref<1x2x128xi32, #tpu.memory_space<vmem>>
          %dma_start3A_280 = tpu.memref_squeeze %dma_start3A_279 : memref<1x2x128xi32, #tpu.memory_space<vmem>> -> memref<2x128xi32, #tpu.memory_space<vmem>>
          %dma_start3A_281 = arith.constant 0 : i32
          %dma_start3A_282 = tpu.memref_slice %dma_start3A_280[%dma_start3A_262, %dma_start3A_281] : memref<2x128xi32, #tpu.memory_space<vmem>> -> memref<1x128xi32, #tpu.memory_space<vmem>>
          %dma_start3A_283 = tpu.memref_squeeze %dma_start3A_282 : memref<1x128xi32, #tpu.memory_space<vmem>> -> memref<128xi32, #tpu.memory_space<vmem>>
          %dma_start3A_284 = arith.constant 0 : i32
          %dma_start3A_285 = tpu.memref_slice %arg3[%dma_start3A_261, %dma_start3A_284] : memref<2x320000xi32, #tpu.memory_space<hbm>> -> memref<1x320000xi32, #tpu.memory_space<hbm>>
          %dma_start3A_286 = tpu.memref_squeeze %dma_start3A_285 : memref<1x320000xi32, #tpu.memory_space<hbm>> -> memref<320000xi32, #tpu.memory_space<hbm>>
          %dma_start3A_287 = tpu.memref_slice %dma_start3A_286[%mul3A_233] : memref<320000xi32, #tpu.memory_space<hbm>> -> memref<128xi32, #tpu.memory_space<hbm>>
          tpu.enqueue_dma source(%dma_start3A_287 : memref<128xi32, #tpu.memory_space<hbm>>) target(%dma_start3A_283 : memref<128xi32, #tpu.memory_space<vmem>>) target_semaphore(%dma_start3A_276 : memref<!tpu.dma_semaphore, #tpu.memory_space<semaphore_mem>>)
        } else {
        }
        %dma_start3A_191 = arith.constant 0 : i32
        %dma_start3A_192 = arith.constant 0 : i32
        %dma_start3A_193 = arith.constant 0 : i32
        %dma_start3A_194 = arith.constant 0 : i32
        %dma_start3A_195 = tpu.memref_slice %arg5[%cond3A_180, %dma_start3A_193, %dma_start3A_194] : memref<2x2x128xi32, #tpu.memory_space<vmem>> -> memref<1x2x128xi32, #tpu.memory_space<vmem>>
        %dma_start3A_196 = tpu.memref_squeeze %dma_start3A_195 : memref<1x2x128xi32, #tpu.memory_space<vmem>> -> memref<2x128xi32, #tpu.memory_space<vmem>>
        %dma_start3A_197 = arith.constant 0 : i32
        %dma_start3A_198 = tpu.memref_slice %dma_start3A_196[%dma_start3A_191, %dma_start3A_197] : memref<2x128xi32, #tpu.memory_space<vmem>> -> memref<1x128xi32, #tpu.memory_space<vmem>>
        %dma_start3A_199 = tpu.memref_squeeze %dma_start3A_198 : memref<1x128xi32, #tpu.memory_space<vmem>> -> memref<128xi32, #tpu.memory_space<vmem>>
        %dma_start3A_200 = arith.constant 0 : i32
        %dma_start3A_201 = arith.constant 0 : i32
        %dma_start3A_202 = tpu.memref_slice %arg2[%dma_start3A_200, %dma_start3A_201] : memref<10000x128xf32, #tpu.memory_space<hbm>> -> memref<10000x128xf32, #tpu.memory_space<hbm>>
        %dma_start3A_203 = tpu.memref_slice %arg8[%dma_start3A_192] : memref<1x!tpu.dma_semaphore, #tpu.memory_space<semaphore_mem>> -> memref<1x!tpu.dma_semaphore, #tpu.memory_space<semaphore_mem>>
        %dma_start3A_204 = tpu.memref_squeeze %dma_start3A_203 : memref<1x!tpu.dma_semaphore, #tpu.memory_space<semaphore_mem>> -> memref<!tpu.dma_semaphore, #tpu.memory_space<semaphore_mem>>
        tpu.enqueue_indirect_dma source(%dma_start3A_202 : memref<10000x128xf32, #tpu.memory_space<hbm>>) target(%arg6 : memref<128x128xf32, #tpu.memory_space<vmem>>) offsets(%dma_start3A_199 : memref<128xi32, #tpu.memory_space<vmem>>) semaphore(%dma_start3A_204 : memref<!tpu.dma_semaphore, #tpu.memory_space<semaphore_mem>>)
        %dma_wait3A_205 = arith.constant 0 : i32
        %dma_wait3A_206 = arith.constant 0 : i32
        %dma_wait3A_207 = arith.constant 0 : i32
        %dma_wait3A_208 = arith.constant 0 : i32
        %dma_wait3A_209 = tpu.memref_slice %arg5[%cond3A_180, %dma_wait3A_207, %dma_wait3A_208] : memref<2x2x128xi32, #tpu.memory_space<vmem>> -> memref<1x2x128xi32, #tpu.memory_space<vmem>>
        %dma_wait3A_210 = tpu.memref_squeeze %dma_wait3A_209 : memref<1x2x128xi32, #tpu.memory_space<vmem>> -> memref<2x128xi32, #tpu.memory_space<vmem>>
        %dma_wait3A_211 = arith.constant 0 : i32
        %dma_wait3A_212 = tpu.memref_slice %dma_wait3A_210[%dma_wait3A_205, %dma_wait3A_211] : memref<2x128xi32, #tpu.memory_space<vmem>> -> memref<1x128xi32, #tpu.memory_space<vmem>>
        %dma_wait3A_213 = tpu.memref_squeeze %dma_wait3A_212 : memref<1x128xi32, #tpu.memory_space<vmem>> -> memref<128xi32, #tpu.memory_space<vmem>>
        %dma_wait3A_214 = arith.constant 0 : i32
        %dma_wait3A_215 = arith.constant 0 : i32
        %dma_wait3A_216 = tpu.memref_slice %arg2[%dma_wait3A_214, %dma_wait3A_215] : memref<10000x128xf32, #tpu.memory_space<hbm>> -> memref<10000x128xf32, #tpu.memory_space<hbm>>
        %dma_wait3A_217 = tpu.memref_slice %arg8[%dma_wait3A_206] : memref<1x!tpu.dma_semaphore, #tpu.memory_space<semaphore_mem>> -> memref<1x!tpu.dma_semaphore, #tpu.memory_space<semaphore_mem>>
        %dma_wait3A_218 = tpu.memref_squeeze %dma_wait3A_217 : memref<1x!tpu.dma_semaphore, #tpu.memory_space<semaphore_mem>> -> memref<!tpu.dma_semaphore, #tpu.memory_space<semaphore_mem>>
        tpu.wait_indirect_dma semaphore(%dma_wait3A_218 : memref<!tpu.dma_semaphore, #tpu.memory_space<semaphore_mem>>) src(%dma_wait3A_216 : memref<10000x128xf32, #tpu.memory_space<hbm>>) dst(%arg6 : memref<128x128xf32, #tpu.memory_space<vmem>>)
        %run_scoped3A = arith.constant 1 : i32
        "tpu.region"() ({
          %run_scoped3A_227 = tpu.sem_alloc : memref<!tpu.dma_semaphore, #tpu.memory_space<semaphore_mem>>
          %dma_start3A_228 = arith.constant 0 : i32
          %dma_start3A_229 = arith.constant 0 : i32
          %dma_start3A_230 = tpu.memref_slice %arg5[%cond3A_180, %dma_start3A_228, %dma_start3A_229] : memref<2x2x128xi32, #tpu.memory_space<vmem>> -> memref<1x2x128xi32, #tpu.memory_space<vmem>>
          %dma_start3A_231 = tpu.memref_squeeze %dma_start3A_230 : memref<1x2x128xi32, #tpu.memory_space<vmem>> -> memref<2x128xi32, #tpu.memory_space<vmem>>
          %dma_start3A_232 = arith.constant 0 : i32
          %dma_start3A_233 = tpu.memref_slice %dma_start3A_231[%run_scoped3A, %dma_start3A_232] : memref<2x128xi32, #tpu.memory_space<vmem>> -> memref<1x128xi32, #tpu.memory_space<vmem>>
          %dma_start3A_234 = tpu.memref_squeeze %dma_start3A_233 : memref<1x128xi32, #tpu.memory_space<vmem>> -> memref<128xi32, #tpu.memory_space<vmem>>
          %dma_start3A_235 = arith.constant 0 : i32
          %dma_start3A_236 = arith.constant 0 : i32
          %dma_start3A_237 = tpu.memref_slice %arg7[%dma_start3A_235, %dma_start3A_236] : memref<10240x128xf32, #tpu.memory_space<vmem_shared>> -> memref<10240x128xf32, #tpu.memory_space<vmem_shared>>
          tpu.enqueue_indirect_dma source(%arg6 : memref<128x128xf32, #tpu.memory_space<vmem>>) target(%dma_start3A_237 : memref<10240x128xf32, #tpu.memory_space<vmem_shared>>) offsets(%dma_start3A_234 : memref<128xi32, #tpu.memory_space<vmem>>) semaphore(%run_scoped3A_227 : memref<!tpu.dma_semaphore, #tpu.memory_space<semaphore_mem>>) {add = true}
          %dma_wait3A_238 = arith.constant 0 : i32
          %dma_wait3A_239 = arith.constant 0 : i32
          %dma_wait3A_240 = tpu.memref_slice %arg5[%cond3A_180, %dma_wait3A_238, %dma_wait3A_239] : memref<2x2x128xi32, #tpu.memory_space<vmem>> -> memref<1x2x128xi32, #tpu.memory_space<vmem>>
          %dma_wait3A_241 = tpu.memref_squeeze %dma_wait3A_240 : memref<1x2x128xi32, #tpu.memory_space<vmem>> -> memref<2x128xi32, #tpu.memory_space<vmem>>
          %dma_wait3A_242 = arith.constant 0 : i32
          %dma_wait3A_243 = tpu.memref_slice %dma_wait3A_241[%run_scoped3A, %dma_wait3A_242] : memref<2x128xi32, #tpu.memory_space<vmem>> -> memref<1x128xi32, #tpu.memory_space<vmem>>
          %dma_wait3A_244 = tpu.memref_squeeze %dma_wait3A_243 : memref<1x128xi32, #tpu.memory_space<vmem>> -> memref<128xi32, #tpu.memory_space<vmem>>
          %dma_wait3A_245 = arith.constant 0 : i32
          %dma_wait3A_246 = arith.constant 0 : i32
          %dma_wait3A_247 = tpu.memref_slice %arg7[%dma_wait3A_245, %dma_wait3A_246] : memref<10240x128xf32, #tpu.memory_space<vmem_shared>> -> memref<10240x128xf32, #tpu.memory_space<vmem_shared>>
          tpu.wait_indirect_dma semaphore(%run_scoped3A_227 : memref<!tpu.dma_semaphore, #tpu.memory_space<semaphore_mem>>) src(%arg6 : memref<128x128xf32, #tpu.memory_space<vmem>>) dst(%dma_wait3A_247 : memref<10240x128xf32, #tpu.memory_space<vmem_shared>>)
          tpu.yield
        }) : () -> ()
        %add3A_219 = arith.constant 1 : i32
        %add3A_220 = arith.addi %add3A_166, %add3A_219 : i32
        %add3A_221 = arith.constant 1 : i32
        %add3A_222 = arith.addi %add3A_220, %add3A_221 : i32
        %lt3A_223 = arith.cmpi slt, %add3A_222, %select_n3A_8 : i32
        %convert_element_type3A_224 = arith.extui %lt3A_223 : i1 to i32
        %cond3A_225 = arith.constant 0 : i32
        %cond3A_226 = arith.cmpi ne, %convert_element_type3A_224, %cond3A_225 : i32
        scf.if %cond3A_226 {
          %dma_wait3A_227 = arith.constant 0 : i32
          %dma_wait3A_228 = arith.constant 0 : i32
          %dma_wait3A_229 = arith.constant 0 : i32
          %dma_wait3A_230 = arith.constant 0 : i32
          %dma_wait3A_231 = arith.constant 0 : i32
          %dma_wait3A_232 = tpu.memref_slice %arg5[%cond3A_179, %dma_wait3A_230, %dma_wait3A_231] : memref<2x2x128xi32, #tpu.memory_space<vmem>> -> memref<1x2x128xi32, #tpu.memory_space<vmem>>
          %dma_wait3A_233 = tpu.memref_squeeze %dma_wait3A_232 : memref<1x2x128xi32, #tpu.memory_space<vmem>> -> memref<2x128xi32, #tpu.memory_space<vmem>>
          %dma_wait3A_234 = arith.constant 0 : i32
          %dma_wait3A_235 = tpu.memref_slice %dma_wait3A_233[%dma_wait3A_228, %dma_wait3A_234] : memref<2x128xi32, #tpu.memory_space<vmem>> -> memref<1x128xi32, #tpu.memory_space<vmem>>
          %dma_wait3A_236 = tpu.memref_squeeze %dma_wait3A_235 : memref<1x128xi32, #tpu.memory_space<vmem>> -> memref<128xi32, #tpu.memory_space<vmem>>
          %dma_wait3A_237 = arith.constant 0 : i32
          %dma_wait3A_238 = tpu.memref_slice %arg3[%dma_wait3A_227, %dma_wait3A_237] : memref<2x320000xi32, #tpu.memory_space<hbm>> -> memref<1x320000xi32, #tpu.memory_space<hbm>>
          %dma_wait3A_239 = tpu.memref_squeeze %dma_wait3A_238 : memref<1x320000xi32, #tpu.memory_space<hbm>> -> memref<320000xi32, #tpu.memory_space<hbm>>
          %dma_wait3A_240 = arith.constant 0 : i32
          %dma_wait3A_241 = tpu.memref_slice %dma_wait3A_239[%dma_wait3A_240] : memref<320000xi32, #tpu.memory_space<hbm>> -> memref<128xi32, #tpu.memory_space<hbm>>
          %dma_wait3A_242 = tpu.memref_slice %arg9[%dma_wait3A_229] : memref<2x!tpu.dma_semaphore, #tpu.memory_space<semaphore_mem>> -> memref<1x!tpu.dma_semaphore, #tpu.memory_space<semaphore_mem>>
          %dma_wait3A_243 = tpu.memref_squeeze %dma_wait3A_242 : memref<1x!tpu.dma_semaphore, #tpu.memory_space<semaphore_mem>> -> memref<!tpu.dma_semaphore, #tpu.memory_space<semaphore_mem>>
          %dma_wait3A_244 = arith.constant 0 : i32
          %dma_wait3A_245 = arith.constant 0 : i32
          %dma_wait3A_246 = tpu.memref_slice %arg5[%cond3A_179, %dma_wait3A_244, %dma_wait3A_245] : memref<2x2x128xi32, #tpu.memory_space<vmem>> -> memref<1x2x128xi32, #tpu.memory_space<vmem>>
          %dma_wait3A_247 = tpu.memref_squeeze %dma_wait3A_246 : memref<1x2x128xi32, #tpu.memory_space<vmem>> -> memref<2x128xi32, #tpu.memory_space<vmem>>
          %dma_wait3A_248 = arith.constant 0 : i32
          %dma_wait3A_249 = tpu.memref_slice %dma_wait3A_247[%dma_wait3A_228, %dma_wait3A_248] : memref<2x128xi32, #tpu.memory_space<vmem>> -> memref<1x128xi32, #tpu.memory_space<vmem>>
          %dma_wait3A_250 = tpu.memref_squeeze %dma_wait3A_249 : memref<1x128xi32, #tpu.memory_space<vmem>> -> memref<128xi32, #tpu.memory_space<vmem>>
          %dma_wait3A_251 = arith.constant 0 : i32
          %dma_wait3A_252 = tpu.memref_slice %arg3[%dma_wait3A_227, %dma_wait3A_251] : memref<2x320000xi32, #tpu.memory_space<hbm>> -> memref<1x320000xi32, #tpu.memory_space<hbm>>
          %dma_wait3A_253 = tpu.memref_squeeze %dma_wait3A_252 : memref<1x320000xi32, #tpu.memory_space<hbm>> -> memref<320000xi32, #tpu.memory_space<hbm>>
          %dma_wait3A_254 = arith.constant 0 : i32
          %dma_wait3A_255 = tpu.memref_slice %dma_wait3A_253[%dma_wait3A_254] : memref<320000xi32, #tpu.memory_space<hbm>> -> memref<128xi32, #tpu.memory_space<hbm>>
          tpu.wait_dma2 semaphore(%dma_wait3A_243 : memref<!tpu.dma_semaphore, #tpu.memory_space<semaphore_mem>>) src(%dma_wait3A_255 : memref<128xi32, #tpu.memory_space<hbm>>) dst(%dma_wait3A_250 : memref<128xi32, #tpu.memory_space<vmem>>)
          %dma_wait3A_256 = arith.constant 1 : i32
          %dma_wait3A_257 = arith.constant 1 : i32
          %dma_wait3A_258 = arith.constant 0 : i32
          %dma_wait3A_259 = arith.constant 0 : i32
          %dma_wait3A_260 = arith.constant 0 : i32
          %dma_wait3A_261 = tpu.memref_slice %arg5[%cond3A_179, %dma_wait3A_259, %dma_wait3A_260] : memref<2x2x128xi32, #tpu.memory_space<vmem>> -> memref<1x2x128xi32, #tpu.memory_space<vmem>>
          %dma_wait3A_262 = tpu.memref_squeeze %dma_wait3A_261 : memref<1x2x128xi32, #tpu.memory_space<vmem>> -> memref<2x128xi32, #tpu.memory_space<vmem>>
          %dma_wait3A_263 = arith.constant 0 : i32
          %dma_wait3A_264 = tpu.memref_slice %dma_wait3A_262[%dma_wait3A_257, %dma_wait3A_263] : memref<2x128xi32, #tpu.memory_space<vmem>> -> memref<1x128xi32, #tpu.memory_space<vmem>>
          %dma_wait3A_265 = tpu.memref_squeeze %dma_wait3A_264 : memref<1x128xi32, #tpu.memory_space<vmem>> -> memref<128xi32, #tpu.memory_space<vmem>>
          %dma_wait3A_266 = arith.constant 0 : i32
          %dma_wait3A_267 = tpu.memref_slice %arg3[%dma_wait3A_256, %dma_wait3A_266] : memref<2x320000xi32, #tpu.memory_space<hbm>> -> memref<1x320000xi32, #tpu.memory_space<hbm>>
          %dma_wait3A_268 = tpu.memref_squeeze %dma_wait3A_267 : memref<1x320000xi32, #tpu.memory_space<hbm>> -> memref<320000xi32, #tpu.memory_space<hbm>>
          %dma_wait3A_269 = arith.constant 0 : i32
          %dma_wait3A_270 = tpu.memref_slice %dma_wait3A_268[%dma_wait3A_269] : memref<320000xi32, #tpu.memory_space<hbm>> -> memref<128xi32, #tpu.memory_space<hbm>>
          %dma_wait3A_271 = tpu.memref_slice %arg9[%dma_wait3A_258] : memref<2x!tpu.dma_semaphore, #tpu.memory_space<semaphore_mem>> -> memref<1x!tpu.dma_semaphore, #tpu.memory_space<semaphore_mem>>
          %dma_wait3A_272 = tpu.memref_squeeze %dma_wait3A_271 : memref<1x!tpu.dma_semaphore, #tpu.memory_space<semaphore_mem>> -> memref<!tpu.dma_semaphore, #tpu.memory_space<semaphore_mem>>
          %dma_wait3A_273 = arith.constant 0 : i32
          %dma_wait3A_274 = arith.constant 0 : i32
          %dma_wait3A_275 = tpu.memref_slice %arg5[%cond3A_179, %dma_wait3A_273, %dma_wait3A_274] : memref<2x2x128xi32, #tpu.memory_space<vmem>> -> memref<1x2x128xi32, #tpu.memory_space<vmem>>
          %dma_wait3A_276 = tpu.memref_squeeze %dma_wait3A_275 : memref<1x2x128xi32, #tpu.memory_space<vmem>> -> memref<2x128xi32, #tpu.memory_space<vmem>>
          %dma_wait3A_277 = arith.constant 0 : i32
          %dma_wait3A_278 = tpu.memref_slice %dma_wait3A_276[%dma_wait3A_257, %dma_wait3A_277] : memref<2x128xi32, #tpu.memory_space<vmem>> -> memref<1x128xi32, #tpu.memory_space<vmem>>
          %dma_wait3A_279 = tpu.memref_squeeze %dma_wait3A_278 : memref<1x128xi32, #tpu.memory_space<vmem>> -> memref<128xi32, #tpu.memory_space<vmem>>
          %dma_wait3A_280 = arith.constant 0 : i32
          %dma_wait3A_281 = tpu.memref_slice %arg3[%dma_wait3A_256, %dma_wait3A_280] : memref<2x320000xi32, #tpu.memory_space<hbm>> -> memref<1x320000xi32, #tpu.memory_space<hbm>>
          %dma_wait3A_282 = tpu.memref_squeeze %dma_wait3A_281 : memref<1x320000xi32, #tpu.memory_space<hbm>> -> memref<320000xi32, #tpu.memory_space<hbm>>
          %dma_wait3A_283 = arith.constant 0 : i32
          %dma_wait3A_284 = tpu.memref_slice %dma_wait3A_282[%dma_wait3A_283] : memref<320000xi32, #tpu.memory_space<hbm>> -> memref<128xi32, #tpu.memory_space<hbm>>
          tpu.wait_dma2 semaphore(%dma_wait3A_272 : memref<!tpu.dma_semaphore, #tpu.memory_space<semaphore_mem>>) src(%dma_wait3A_284 : memref<128xi32, #tpu.memory_space<hbm>>) dst(%dma_wait3A_279 : memref<128xi32, #tpu.memory_space<vmem>>)
        } else {
        }
      } else {
      }
    }
    %scan3A_152 = arith.constant 40 : i32
    %barrier3A_153 = arith.constant 0 : index
    tpu.barrier barrier_id(%barrier3A_153)
    %lt3A_154 = arith.constant 15 : i32
    %lt3A_155 = arith.cmpi slt, %arg1, %lt3A_154 : i32
    %convert_element_type3A = arith.extui %lt3A_155 : i1 to i32
    %cond3A = arith.constant 0 : i32
    %cond3A_156 = arith.cmpi ne, %convert_element_type3A, %cond3A : i32
    scf.if %cond3A_156 {
      %mul3A_162 = arith.constant 640 : i32
      %mul3A_163 = arith.muli %arg1, %mul3A_162 : i32
      %mul3A_164 = arith.constant 640 : i32
      %mul3A_165 = arith.muli %arg1, %mul3A_164 : i32
      "tpu.region"() ({
        %run_scoped3A = tpu.sem_alloc : memref<!tpu.dma_semaphore, #tpu.memory_space<semaphore_mem>>
        %dma_start3A_166 = arith.constant 0 : i32
        %dma_start3A_167 = arith.constant 0 : i32
        %dma_start3A_168 = tpu.memref_slice %arg4[%arg0, %dma_start3A_166, %dma_start3A_167] : memref<2x10000x128xf32, #tpu.memory_space<hbm>> -> memref<1x10000x128xf32, #tpu.memory_space<hbm>>
        %dma_start3A_169 = tpu.memref_squeeze %dma_start3A_168 : memref<1x10000x128xf32, #tpu.memory_space<hbm>> -> memref<10000x128xf32, #tpu.memory_space<hbm>>
        %dma_start3A_170 = arith.constant 0 : i32
        %dma_start3A_171 = tpu.memref_slice %dma_start3A_169[%mul3A_165, %dma_start3A_170] : memref<10000x128xf32, #tpu.memory_space<hbm>> -> memref<640x128xf32, #tpu.memory_space<hbm>>
        %dma_start3A_172 = arith.constant 0 : i32
        %dma_start3A_173 = tpu.memref_slice %arg7[%mul3A_163, %dma_start3A_172] : memref<10240x128xf32, #tpu.memory_space<vmem_shared>> -> memref<640x128xf32, #tpu.memory_space<vmem_shared>>
        tpu.enqueue_dma source(%dma_start3A_173 : memref<640x128xf32, #tpu.memory_space<vmem_shared>>) target(%dma_start3A_171 : memref<640x128xf32, #tpu.memory_space<hbm>>) target_semaphore(%run_scoped3A : memref<!tpu.dma_semaphore, #tpu.memory_space<semaphore_mem>>)
        %dma_wait3A_174 = arith.constant 0 : i32
        %dma_wait3A_175 = arith.constant 0 : i32
        %dma_wait3A_176 = tpu.memref_slice %arg4[%arg0, %dma_wait3A_174, %dma_wait3A_175] : memref<2x10000x128xf32, #tpu.memory_space<hbm>> -> memref<1x10000x128xf32, #tpu.memory_space<hbm>>
        %dma_wait3A_177 = tpu.memref_squeeze %dma_wait3A_176 : memref<1x10000x128xf32, #tpu.memory_space<hbm>> -> memref<10000x128xf32, #tpu.memory_space<hbm>>
        %dma_wait3A_178 = arith.constant 0 : i32
        %dma_wait3A_179 = tpu.memref_slice %dma_wait3A_177[%mul3A_165, %dma_wait3A_178] : memref<10000x128xf32, #tpu.memory_space<hbm>> -> memref<640x128xf32, #tpu.memory_space<hbm>>
        %dma_wait3A_180 = arith.constant 0 : i32
        %dma_wait3A_181 = tpu.memref_slice %arg7[%mul3A_163, %dma_wait3A_180] : memref<10240x128xf32, #tpu.memory_space<vmem_shared>> -> memref<640x128xf32, #tpu.memory_space<vmem_shared>>
        tpu.wait_dma2 semaphore(%run_scoped3A : memref<!tpu.dma_semaphore, #tpu.memory_space<semaphore_mem>>) src(%dma_wait3A_181 : memref<640x128xf32, #tpu.memory_space<vmem_shared>>) dst(%dma_wait3A_179 : memref<640x128xf32, #tpu.memory_space<hbm>>)
        tpu.yield
      }) : () -> ()
    } else {
    }
    %eq3A_157 = arith.constant 15 : i32
    %eq3A_158 = arith.cmpi eq, %arg1, %eq3A_157 : i32
    %convert_element_type3A_159 = arith.extui %eq3A_158 : i1 to i32
    %cond3A_160 = arith.constant 0 : i32
    %cond3A_161 = arith.cmpi ne, %convert_element_type3A_159, %cond3A_160 : i32
    scf.if %cond3A_161 {
      "tpu.region"() ({
        %run_scoped3A = tpu.sem_alloc : memref<!tpu.dma_semaphore, #tpu.memory_space<semaphore_mem>>
        %dma_start3A_162 = arith.constant 0 : i32
        %dma_start3A_163 = arith.constant 0 : i32
        %dma_start3A_164 = tpu.memref_slice %arg4[%arg0, %dma_start3A_162, %dma_start3A_163] : memref<2x10000x128xf32, #tpu.memory_space<hbm>> -> memref<1x10000x128xf32, #tpu.memory_space<hbm>>
        %dma_start3A_165 = tpu.memref_squeeze %dma_start3A_164 : memref<1x10000x128xf32, #tpu.memory_space<hbm>> -> memref<10000x128xf32, #tpu.memory_space<hbm>>
        %dma_start3A_166 = arith.constant 9600 : i32
        %dma_start3A_167 = arith.constant 0 : i32
        %dma_start3A_168 = tpu.memref_slice %dma_start3A_165[%dma_start3A_166, %dma_start3A_167] : memref<10000x128xf32, #tpu.memory_space<hbm>> -> memref<400x128xf32, #tpu.memory_space<hbm>>
        %dma_start3A_169 = arith.constant 9600 : i32
        %dma_start3A_170 = arith.constant 0 : i32
        %dma_start3A_171 = tpu.memref_slice %arg7[%dma_start3A_169, %dma_start3A_170] : memref<10240x128xf32, #tpu.memory_space<vmem_shared>> -> memref<400x128xf32, #tpu.memory_space<vmem_shared>>
        tpu.enqueue_dma source(%dma_start3A_171 : memref<400x128xf32, #tpu.memory_space<vmem_shared>>) target(%dma_start3A_168 : memref<400x128xf32, #tpu.memory_space<hbm>>) target_semaphore(%run_scoped3A : memref<!tpu.dma_semaphore, #tpu.memory_space<semaphore_mem>>)
        %dma_wait3A_172 = arith.constant 0 : i32
        %dma_wait3A_173 = arith.constant 0 : i32
        %dma_wait3A_174 = tpu.memref_slice %arg4[%arg0, %dma_wait3A_172, %dma_wait3A_173] : memref<2x10000x128xf32, #tpu.memory_space<hbm>> -> memref<1x10000x128xf32, #tpu.memory_space<hbm>>
        %dma_wait3A_175 = tpu.memref_squeeze %dma_wait3A_174 : memref<1x10000x128xf32, #tpu.memory_space<hbm>> -> memref<10000x128xf32, #tpu.memory_space<hbm>>
        %dma_wait3A_176 = arith.constant 9600 : i32
        %dma_wait3A_177 = arith.constant 0 : i32
        %dma_wait3A_178 = tpu.memref_slice %dma_wait3A_175[%dma_wait3A_176, %dma_wait3A_177] : memref<10000x128xf32, #tpu.memory_space<hbm>> -> memref<400x128xf32, #tpu.memory_space<hbm>>
        %dma_wait3A_179 = arith.constant 9600 : i32
        %dma_wait3A_180 = arith.constant 0 : i32
        %dma_wait3A_181 = tpu.memref_slice %arg7[%dma_wait3A_179, %dma_wait3A_180] : memref<10240x128xf32, #tpu.memory_space<vmem_shared>> -> memref<400x128xf32, #tpu.memory_space<vmem_shared>>
        tpu.wait_dma2 semaphore(%run_scoped3A : memref<!tpu.dma_semaphore, #tpu.memory_space<semaphore_mem>>) src(%dma_wait3A_181 : memref<400x128xf32, #tpu.memory_space<vmem_shared>>) dst(%dma_wait3A_178 : memref<400x128xf32, #tpu.memory_space<hbm>>)
        tpu.yield
      }) : () -> ()
    } else {
    }
    return
  }
}

module attributes {stable_mosaic.version = 14 : i64} {
  func.func @_tc_body(%arg0: i32, %arg1: memref<2x2000x128xf32, #tpu.memory_space<vmem>>, %arg2: memref<128x128xf32, #tpu.memory_space<vmem>>, %arg3: memref<1x128xf32, #tpu.memory_space<vmem>>, %arg4: memref<2000x128xf32, #tpu.memory_space<vmem>>) attributes {dimension_semantics = [#tpu.dimension_semantics<arbitrary>], iteration_bounds = array<i64: 5>, scalar_prefetch = 0 : i64, scratch_operands = 0 : i64, tpu.core_type = #tpu.core_type<tc>, window_params = [{transform_indices = @transform_0, window_bounds = array<i64: 2, 2000, 128>}, {pipeline_mode = #tpu.pipeline_mode<synchronous>, transform_indices = @transform_1, window_bounds = array<i64: 128, 128>}, {pipeline_mode = #tpu.pipeline_mode<synchronous>, transform_indices = @transform_2, window_bounds = array<i64: 1, 128>}, {transform_indices = @transform_3, window_bounds = array<i64: 2000, 128>}]} {
    %get3A = arith.constant 0 : index
    %get3A_0 = arith.constant 0 : index
    %get3A_1 = arith.constant 0 : index
    %get3A_2 = vector.load %arg1[%get3A, %get3A_0, %get3A_1] : memref<2x2000x128xf32, #tpu.memory_space<vmem>>, vector<1x2000x128xf32>
    %get3A_3 = vector.shape_cast %get3A_2 : vector<1x2000x128xf32> to vector<2000x128xf32>
    %get3A_4 = arith.constant 1 : index
    %get3A_5 = arith.constant 0 : index
    %get3A_6 = arith.constant 0 : index
    %get3A_7 = vector.load %arg1[%get3A_4, %get3A_5, %get3A_6] : memref<2x2000x128xf32, #tpu.memory_space<vmem>>, vector<1x2000x128xf32>
    %get3A_8 = vector.shape_cast %get3A_7 : vector<1x2000x128xf32> to vector<2000x128xf32>
    %add3A = arith.addf %get3A_3, %get3A_8 : vector<2000x128xf32>
    %get3A_9 = arith.constant 0 : index
    %get3A_10 = arith.constant 0 : index
    %get3A_11 = vector.load %arg2[%get3A_9, %get3A_10] : memref<128x128xf32, #tpu.memory_space<vmem>>, vector<128x128xf32>
    %dot_general3A = arith.constant dense<0.000000e+00> : vector<2000x128xf32>
    %dot_general3A_12 = tpu.matmul %add3A, %get3A_11, %dot_general3A {dimension_numbers = #tpu.dot_dimension_numbers<[1], [0], [0], [1], [0, 0, 1, 1], [], []>, transpose_lhs_hint = false} : vector<2000x128xf32>, vector<128x128xf32>, vector<2000x128xf32> -> vector<2000x128xf32>
    %get3A_13 = arith.constant 0 : index
    %get3A_14 = arith.constant 0 : index
    %get3A_15 = vector.load %arg3[%get3A_13, %get3A_14] : memref<1x128xf32, #tpu.memory_space<vmem>>, vector<1x128xf32>
    %add3A_16 = vector.broadcast %get3A_15 : vector<1x128xf32> to vector<2000x128xf32>
    %add3A_17 = arith.addf %dot_general3A_12, %add3A_16 : vector<2000x128xf32>
    %max3A = arith.constant 0.000000e+00 : f32
    %max3A_18 = vector.broadcast %max3A : f32 to vector<2000x128xf32>
    %max3A_19 = arith.maximumf %add3A_17, %max3A_18 : vector<2000x128xf32>
    %swap3A = arith.constant 0 : index
    %swap3A_20 = arith.constant 0 : index
    %swap3A_21 = vector.load %arg4[%swap3A, %swap3A_20] : memref<2000x128xf32, #tpu.memory_space<vmem>>, vector<2000x128xf32>
    tpu.vector_store %arg4[%swap3A, %swap3A_20], %max3A_19 {strides = array<i32>} : memref<2000x128xf32, #tpu.memory_space<vmem>>, vector<2000x128xf32>,
    return
  }
  func.func @transform_0(%arg0: i32) -> (i32, i32, i32) {
    %c0_i32 = arith.constant 0 : i32
    %c0_i32_0 = arith.constant 0 : i32
    %c0_i32_1 = arith.constant 0 : i32
    return %c0_i32, %arg0, %c0_i32_0 : i32, i32, i32
  }
  func.func @transform_1(%arg0: i32) -> (i32, i32) {
    %c0_i32 = arith.constant 0 : i32
    %c0_i32_0 = arith.constant 0 : i32
    %c0_i32_1 = arith.constant 0 : i32
    return %c0_i32, %c0_i32_0 : i32, i32
  }
  func.func @transform_2(%arg0: i32) -> (i32, i32) {
    %c0_i32 = arith.constant 0 : i32
    %c0_i32_0 = arith.constant 0 : i32
    %c0_i32_1 = arith.constant 0 : i32
    return %c0_i32, %c0_i32_0 : i32, i32
  }
  func.func @transform_3(%arg0: i32) -> (i32, i32) {
    %c0_i32 = arith.constant 0 : i32
    %c0_i32_0 = arith.constant 0 : i32
    return %arg0, %c0_i32 : i32, i32
  }
}

</mosaic_0001>

<sc_bundles>
// kernel: kernel.4.cloned.1.call-start
scs
__scs_entry_jumppad:
0x0: {  	(pc) =	sbr.rel $0x88, $3  }
0x1: {  	(tag) =	ssettag $0x0;
	lr =	simm.s32 $0x1  }
0x2: {  	[smem:$0x3F9D] =	sst lr;
	_ =	strace $0xD0000000  }
0x3: {  	_ = 	snop  }
0x4: {  	_ = 	snop  }
0x5: {  	_ = 	snop  }
0x6: {  	_ = 	snop  }
0x7: {  	_ = 	snop  }
__scs_overlays_trampoline_lowered:
0x8: {  	[smem:$0x3FAC] =	sst s0  }
0x9: {  	[smem:$0x3FAD] =	sst s1  }
0xa: {  	[smem:$0x3FAE] =	sst s2  }
0xb: {  	[smem:$0x3FAF] =	sst s3  }
0xc: {  	[smem:$0x3FB0] =	sst s4  }
0xd: {  	[smem:$0x3FB1] =	sst s5  }
0xe: {  	[smem:$0x3FB2] =	sst s6  }
0xf: {  	[smem:$0x3FB3] =	sst s7  }
0x10: {  	[smem:$0x3FB4] =	sst s8  }
0x11: {  	[smem:$0x3FB5] =	sst s9;
	s0 =	simm.s32 @!p0 $0x0  }
0x12: {  	s1 =	sld [smem:$0x3F9B];
	s0 =	simm.s32 @p0 $0x1  }
0x13: {  	[smem:$0x3FB6] =	sst s0;
	s0 =	simm.s32 @!p1 $0x0  }
0x14: {  	s2 =	sld [smem:$0x3F9A];
	s0 =	simm.s32 @p1 $0x1  }
0x15: {  	[smem:$0x3FB7] =	sst s0;
	s0 =	simm.s32 @!p2 $0x0  }
0x16: {  	s3 =	sld [smem:$0x3FDB];
	s0 =	simm.s32 @p2 $0x1  }
0x17: {  	s4 =	simm.s32 $0x1BF5;
	[smem:$0x3FB9] =	sst s0  }
0x18: {  	s0 =	sld [smem:$0x3F9C];
	_ =	swait.ge [sflag:s4], $0x0  }
0x19: {  	s7 =	sld [smem:$0x3F9D]  }
0x1a: {  	s8 =	sadd.s32 $0xFFFFE003, lr  }
0x1b: {  	s9 =	sadd.s32 $0xFFFFFEF7, lr;
	s5 =	simm.s32 $0xFFFFFFFF;
	p2 =	slt.u32 s8, $0xFFFFF086  }
0x1c: {  	p1 =	slt.u32 s9, $0xF7A;
	s5 =	simm.s32 @!p2 $0x0  }
0x1d: {  	s5 =	simm.s32 @p1 $0x1;
	p0 =	seq.s32 s7, s2  }
0x1e: {  	s7 =	smul.u32 @!p0 $0xF7A, s2;
	p2 =	seq.s32 @!p0 s5, $0x0  }
0x1f: {  	s9 =	smul.u32 $0xF7A, s1;
	s8 =	simm.s32 @!p0 $0x1BF5;
	p2 =	por !p2, p0  }
0x20: {  	[sflag:s8] =	ssyncset.s32 @!p0 $0xFFFFF086;
	s6 =	sadd.s32 @!p0 s3, s7;
	s7 =	simm.s32 @!p0 $0x108  }
0x21: {  	s3 =	sadd.s32 s3, s9;
	s6 =	sadd.s32 @!p0 $0x88, s6;
	s7 =	simm.s32 @p2 $0x1082  }
0x22: {  	[simem:s7], [sflag:s8] =	dma.local @!p0 [hbm:s6], $0xF7A  }
0x23: {  	s9 =	sor.u32 $0xD0000000, s2;
	s6 =	simm.s32 $0x108;
	_ =	swait.ge @!p0 [sflag:s8], $0x0  }
0x24: {  	s3 =	sadd.s32 $0x88, s3;
	s6 =	simm.s32 @!p1 $0x1082;
	[sflag:s4] =	ssyncset.s32 $0xFFFFF086  }
0x25: {  	[simem:s6], [sflag:s4] =	dma.local [hbm:s3], $0xF7A  }
0x26: {  	[smem:$0x3F9D] =	sst s1;
	(tag) =	ssettag s2;
	_ =	strace s9  }
0x27: {  	s1 =	sld [smem:$0x3FAD]  }
0x28: {  	s2 =	sld [smem:$0x3FAE]  }
0x29: {  	s4 =	sld [smem:$0x3FB0]  }
0x2a: {  	p0 =	seq.s32 s5, $0x0;
	s5 =	sld [smem:$0x3FB1]  }
0x2b: {  	s6 =	sld [smem:$0x3FB2]  }
0x2c: {  	s7 =	sld [smem:$0x3FB3]  }
0x2d: {  	s3 =	simm.s32 $0x108;
	s8 =	sld [smem:$0x3FB4]  }
0x2e: {  	s3 =	simm.s32 @!p0 $0x1082;
	s9 =	sld [smem:$0x3FB5]  }
0x2f: {  	lr =	sadd.s32 s0, s3;
	s0 =	sld [smem:$0x3FAC]  }
0x30: {  	s3 =	sld [smem:$0x3FAF]  }
0x31: {  	[smem:$0x3FB8] =	sst s10  }
0x32: {  	s10 =	sld [smem:$0x3FB6];
	_ =	sdelay $0x3  }
0x33: {  	p0 =	seq.s32 s10, $0x1;
	s10 =	sld [smem:$0x3FB8];
	_ =	sdelay $0x3  }
0x34: {  	[smem:$0x3FB8] =	sst s10  }
0x35: {  	s10 =	sld [smem:$0x3FB7];
	_ =	sdelay $0x3  }
0x36: {  	p1 =	seq.s32 s10, $0x1;
	s10 =	sld [smem:$0x3FB8];
	_ =	sdelay $0x3  }
0x37: {  	[smem:$0x3FB8] =	sst s10  }
0x38: {  	s10 =	sld [smem:$0x3FB9]  }
0x39: {  	_ = 	snop;
	(pc) =	sbr.ind lr, $3  }
0x3a: {  	_ = 	snop  }
0x3b: {  	_ = 	snop  }
0x3c: {  	p2 =	seq.s32 s10, $0x1;
	s10 =	sld [smem:$0x3FB8]  }
0x3d: {  	_ =	shalt  }
0x3e: {  	_ =	shalt  }
0x3f: {  	_ =	shalt  }
0x40: {  	_ =	shalt  }
0x41: {  	_ =	shalt  }
0x42: {  	_ =	shalt  }
0x43: {  	_ =	shalt  }
0x44: {  	_ =	shalt  }
0x45: {  	_ =	shalt  }
0x46: {  	_ =	shalt  }
0x47: {  	_ =	shalt  }
0x48: {  	_ =	shalt  }
0x49: {  	_ =	shalt  }
0x4a: {  	_ =	shalt  }
0x4b: {  	_ =	shalt  }
0x4c: {  	_ =	shalt  }
0x4d: {  	_ =	shalt  }
0x4e: {  	_ =	shalt  }
0x4f: {  	_ =	shalt  }
0x50: {  	_ =	shalt  }
0x51: {  	_ =	shalt  }
0x52: {  	_ =	shalt  }
0x53: {  	_ =	shalt  }
0x54: {  	_ =	shalt  }
0x55: {  	_ =	shalt  }
0x56: {  	_ =	shalt  }
0x57: {  	_ =	shalt  }
0x58: {  	_ =	shalt  }
0x59: {  	_ =	shalt  }
0x5a: {  	_ =	shalt  }
0x5b: {  	_ =	shalt  }
0x5c: {  	_ =	shalt  }
0x5d: {  	_ =	shalt  }
0x5e: {  	_ =	shalt  }
0x5f: {  	_ =	shalt  }
0x60: {  	_ =	shalt  }
0x61: {  	_ =	shalt  }
0x62: {  	_ =	shalt  }
0x63: {  	_ =	shalt  }
0x64: {  	_ =	shalt  }
0x65: {  	_ =	shalt  }
0x66: {  	_ =	shalt  }
0x67: {  	_ =	shalt  }
0x68: {  	_ =	shalt  }
0x69: {  	_ =	shalt  }
0x6a: {  	_ =	shalt  }
0x6b: {  	_ =	shalt  }
0x6c: {  	_ =	shalt  }
0x6d: {  	_ =	shalt  }
0x6e: {  	_ =	shalt  }
0x6f: {  	_ =	shalt  }
0x70: {  	_ =	shalt  }
0x71: {  	_ =	shalt  }
0x72: {  	_ =	shalt  }
0x73: {  	_ =	shalt  }
0x74: {  	_ =	shalt  }
0x75: {  	_ =	shalt  }
0x76: {  	_ =	shalt  }
0x77: {  	_ =	shalt  }
0x78: {  	_ =	shalt  }
0x79: {  	_ =	shalt  }
0x7a: {  	_ =	shalt  }
0x7b: {  	_ =	shalt  }
0x7c: {  	_ =	shalt  }
0x7d: {  	_ =	shalt  }
0x7e: {  	_ =	shalt  }
0x7f: {  	_ =	shalt  }
0x80: {  	_ =	shalt  }
0x81: {  	_ =	shalt  }
0x82: {  	_ =	shalt  }
0x83: {  	_ =	shalt  }
0x84: {  	_ =	shalt  }
0x85: {  	_ =	shalt  }
0x86: {  	_ =	shalt  }
0x87: {  	_ =	shalt  }
.Lfunc_end0:
.L_simem_size_0:
called_computation_lowered:
.L_overlay_start_0:
0x88: {  	s2 =	sld [smem:$0x3FD9]  }
0x89: {  	s3 =	sld [smem:$0x3FFE];
	_ =	sdelay $0x1  }
0x8a: {  	s1 =	srdreg.scid  }
0x8b: {  	s0 =	sand.u32 $0x1, s1  }
0x8c: {  	s17 =	sshll.u32 s0, $0xA;
	s2 =	sadd.s32 s3, s2  }
0x8d: {  	s2 =	sadd.s32 s2, s17  }
0x8e: {  	[smem:$0x3FC4] =	sst s2  }
0x8f: {  	_ = 	snop  }
0x90: {  	s2 =	sld [smem:$0x3FC9]  }
0x91: {  	s18 =	sld [smem:$0x3FC8];
	(tm) =	ssettm $0x1  }
0x92: {  	s4 =	sld [smem:$0x3FFB];
	_ =	sdelay $0x3  }
0x93: {  	_ =	strace s4  }
0x94: {  	s4 =	sld [smem:$0x3FFC];
	_ =	sdelay $0x3  }
0x95: {  	_ =	strace s4  }
0x96: {  	s4 =	sld [smem:$0x3FFD];
	_ =	sdelay $0x3  }
0x97: {  	_ =	strace s4  }
0x98: {  	_ =	strace $0x8FFFFFFF  }
0x99: {  	s19 =	sld [smem:$0x3FDB];
	_ =	sdelay $0x1  }
0x9a: {  	s5 =	simm.s32 $_scs_section_size  }
0x9b: {  	s6 =	simm.s32 $_size__tile_overlayer_lowered;
	s7 =	simm.s32 $_tile_overlayer_lowered  }
0x9c: {  	s22 =	simm.s32 $0x1BFF;
	s21 =	sshll.u32 s7, $0x1;
	s4 =	sadd.s32 s5, s19  }
0x9d: {  	s8 =	simm.s32 $0x0;
	s20 =	sshll.u32 s6, $0x1;
	s6 =	sadd.s32 s21, s4  }
0x9e: {  	[timem:s8], [sflag:s22] =	dma.local [hbm:s6], s20  }
0x9f: {  	_ =	swait.ge [sflag:s22], s20  }
0xa0: {  	s5 =	ssub.s32 $0x0, s20;
	[sflag:s22] =	ssyncset.done $0x0  }
0xa1: {  	[sflag:s22] =	ssyncadd.s32 s5;
	_ =	sdelay $0x1  }
0xa2: {  	s23 =	simm.s32 $0x1B8B  }
0xa3: {  	_ =	swait.ge [sflag:s23], $0x1  }
0xa4: {  	[sflag:s23] =	ssyncset.done $0x0  }
0xa5: {  	s25 =	simm.s32 $0x1B8E;
	s24 =	sld [smem:$0x3FFE];
	[sflag:s23] =	ssyncadd.s32 $0xFFFFFFFF  }
0xa6: {  	s26 =	simm.s32 $execute0_lowered;
	[smem:$0x3FD2] =	sst s25  }
0xa7: {  	s6 =	sshll.u32 s26, $0x1;
	_ =	strace $0x80000046;
	[dreg:$0x1] =	wrdreg $0xFFFFFFFF  }
0xa8: {  	s28 =	simm.s32 $_size_execute0_lowered;
	s4 =	sadd.s32 s4, s6;
	[dreg:$0x0] =	wrdreg $0x0  }
0xa9: {  	s6 =	sshll.u32 s28, $0x1;
	[dreg:$0x2] =	wrdreg s4  }
0xaa: {  	[dreg:$0x3] =	wrdreg s6  }
0xab: {  	[dreg:$0x4] =	wrdreg $0xC0  }
0xac: {  	_ =	task [dreg:s8], $0x5FFFF  }
0xad: {  	[dreg:$0x1] =	wrdreg $0xFFFFFFFF  }
0xae: {  	[dreg:$0x0] =	wrdreg $0x60  }
0xaf: {  	[dreg:$0x2] =	wrdreg s2  }
0xb0: {  	[dreg:$0x3] =	wrdreg s18  }
0xb1: {  	[dreg:$0x4] =	wrdreg s24  }
0xb2: {  	[dreg:$0x5] =	wrdreg $0x42000  }
0xb3: {  	[dreg:$0x6] =	wrdreg $0x9  }
0xb4: {  	_ =	task.clear_ibuf [dreg:s8], $0x7FFFF;
	_ =	strace $0x90000046  }
0xb5: {  	s29 =	simm.s32 $0x9;
	_ =	strace $0x80000048  }
0xb6: {  	_ =	swait.ge [sflag:s29], $0x1  }
0xb7: {  	[sflag:s29] =	ssyncadd.s32 $0xFFFFFFFF  }
0xb8: {  	_ =	strace $0x90000048  }
0xb9: {  	_ =	sfence  }
0xba: {  	s30 =	sld [smem:$0x0];
	_ =	sdelay $0x2  }
0xbb: {  	s31 =	sshll.u32 s1, $0xD;
	s1 =	sshrl.u32 s1, $0x2  }
0xbc: {  	s3 =	sand.u32 $0x4000, s31;
	s1 =	sadd.s32 s1, s30  }
0xbd: {  	s0 =	sor.u32 s3, s0;
	s1 =	sshll.u32 s1, $0x11  }
0xbe: {  	s0 =	sor.u32 s1, s0  }
0xbf: {  	s0 =	sadd.s32 $0x8F2B, s0  }
0xc0: {  	[sflag:s0] =	ssyncadd.remote.s32 $0x1  }
0xc1: {  	_ =	sfence.sel $0xFFFF  }
0xc2: {  	[dreg:$0x0] =	wrdreg $0xFFFFFFFF;
	(pc) =	sbr.abs _section_cstart, $3  }
0xc3: {  	[dreg:$0x1] =	wrdreg $0xFFFFFFFF  }
0xc4: {  	_ =	task.clear_ibuf [dreg:s8], $0x2FFFF;
	_ =	strace $0x9FFFFFFF  }
0xc5: {  	(tm) =	ssettm $0x7FFFFFFF  }
tec
execute0_lowered:
.L_overlay_start_1:
0x0: {  	(tag) =	ssettag $0x1  }
0x1: {  	s1 =	rddreg [dreg:$0x0]  }
0x2: {  	s9 =	rddreg [dreg:$0x1]  }
0x3: {  	s4 =	rddreg [dreg:$0x2]  }
0x4: {  	s2 =	rddreg [dreg:$0x3];
	s5 =	srdreg.scid  }
0x5: {  	s3 =	simm.s32 $0x0;
	s16 =	simm.s32 $0x200;
	s5 =	sand.u32 $0x1, s5  }
0x6: {  	s17 =	simm.s32 $0x4;
	[smem:$0x7FF] =	sst s3;
	s6 =	smul.u32 $0x27100, s5  }
0x7: {  	s20 =	sadd.s32 $0x12C000, s2;
	s7 =	ssub.s32 $0x2, s5;
	_ =	strace $0x80000047  }
0x8: {  	p0 =	seq.s32 s5, $0x0;
	s10 =	sadd.s32 s6, s4;
	s4 =	stileid.u32  }
0x9: {  	s5 =	simm.s32 $0x4D;
	s8 =	sshrl.u32 s7, $0x1;
	s26 =	smul.u32 $0x4C, s4  }
0xa: {  	s11 =	ssub.s32 s7, s8;
	s6 =	simm.s32 $0x50;
	s28 =	smul.u32 $0x4F, s4  }
0xb: {  	p1 =	slt.u32 s4, $0xB;
	s12 =	smin.u32 s4, $0x9;
	s29 =	smul.u32 $0x50000, s4  }
0xc: {  	s13 =	smin.u32 s4, $0xB;
	s10 =	sadd.s32 $0xA00, s10;
	s21 =	smul.u32 $0x2800, s4  }
0xd: {  	s11 =	smax.u32 s11, $0x1;
	s6 =	simm.s32 @!p1 $0x4F;
	p1 =	slt.u32 s4, $0x9  }
0xe: {  	s7 =	sadd.s32 s12, s26;
	s5 =	simm.s32 @!p1 $0x4C;
	s8 =	sadd.s32 s13, s28  }
0xf: {  	s30 =	sshrl.u32 s29, $0x2;
	s7 =	sadd.s32 $0x4FB, s7;
	s5 =	smov.u32 @p0 s6  }
0x10: {  	s6 =	sadd.s32 s30, s2;
	s7 =	smov.u32 @p0 s8;
	s31 =	sadd.s32 $0xFFFFFFFF, s5  }
0x11: {  	s12 =	sadd.s32 $0x4000, s6;
	s13 =	sadd.s32 $0x8000, s6;
	s14 =	sadd.s32 $0xC000, s6  }
0x12: {  	s15 =	sadd.s32 $0x10000, s6;
	p0 =	seq.s32 s4, $0xF;
	s7 =	sshll.u32 s7, $0x5  }
0x13: {  	[dreg:$0x5] =	wrdreg s31;
	s8 =	sadd.s32 s9, s7;
	s9 =	sadd.s32 $0x10, s9  }
0x14: {  	v0 =	vimm.f32 $0.0e+00;
	s20 =	sshrl.u32 @p0 s20, $0x3;
	s21 =	sadd.s32 @!p0 s21, s10;
	s18 =	sadd.s32 s7, s9  }
.LBB2_1:
0x15: {  	s22 =	simm.s32 $0x0;
	s23 =	simm.s32 $0x200  }
.LBB2_2:
0x16: {  	p1 =	sne.s32 s23, $0xFE00;
	[tilespmem:s22+$0x270] =	vst v0  }
0x17: {  	[tilespmem:s22+$0x200] =	vst v0  }
0x18: {  	[tilespmem:s22+$0x210] =	vst v0  }
.Ltmp0:
0x19: {  	[tilespmem:s22+$0x220] =	vst v0;
	(pc) =	sbr.rel @p1 .LBB2_2-.Ltmp0, $4  }
0x1a: {  	[tilespmem:s22+$0x230] =	vst v0  }
0x1b: {  	[tilespmem:s22+$0x240] =	vst v0  }
0x1c: {  	[tilespmem:s22+$0x250] =	vst v0  }
0x1d: {  	[tilespmem:s22+$0x260] =	vst v0;
	s22 =	sshra.s32 s23, $0x2;
	s23 =	sadd.s32 $0x200, s23  }
0x1e: {  	[tilespmem:s22+$0x270] =	vst v0  }
0x1f: {  	[tilespmem:s22+$0x200] =	vst v0  }
0x20: {  	[tilespmem:s22+$0x210] =	vst v0  }
0x21: {  	[tilespmem:s22+$0x220] =	vst v0  }
0x22: {  	[tilespmem:s22+$0x230] =	vst v0  }
0x23: {  	[tilespmem:s22+$0x240] =	vst v0  }
0x24: {  	[tilespmem:s22+$0x250] =	vst v0  }
0x25: {  	[tilespmem:s22+$0x260] =	vst v0  }
0x26: {  	[spmem:s6] =	stream.linear.scatter [tilespmem:s16], [sflag:$0x4], $0x4000, $0x38;
	[tilespmem:$0x18200] =	vst v63  }
0x27: {  	_ =	swait.ge [sflag:s17], $0x4000  }
0x28: {  	[sflag:s17] =	ssyncset.done $0x0  }
0x29: {  	[sflag:s17] =	ssyncadd.s32 $0xFFFFC000  }
0x2a: {  	[spmem:s12] =	stream.linear.scatter [tilespmem:s16], [sflag:$0x4], $0x4000, $0x38;
	[tilespmem:$0x18200] =	vst v63  }
0x2b: {  	_ =	swait.ge [sflag:s17], $0x4000  }
0x2c: {  	[sflag:s17] =	ssyncset.done $0x0  }
0x2d: {  	[sflag:s17] =	ssyncadd.s32 $0xFFFFC000  }
0x2e: {  	[spmem:s13] =	stream.linear.scatter [tilespmem:s16], [sflag:$0x4], $0x4000, $0x38;
	[tilespmem:$0x18200] =	vst v63  }
0x2f: {  	_ =	swait.ge [sflag:s17], $0x4000  }
0x30: {  	[sflag:s17] =	ssyncset.done $0x0  }
0x31: {  	[sflag:s17] =	ssyncadd.s32 $0xFFFFC000  }
0x32: {  	[spmem:s14] =	stream.linear.scatter [tilespmem:s16], [sflag:$0x4], $0x4000, $0x38;
	[tilespmem:$0x18200] =	vst v63  }
0x33: {  	_ =	swait.ge [sflag:s17], $0x4000  }
0x34: {  	[sflag:s17] =	ssyncset.done $0x0  }
0x35: {  	[sflag:s17] =	ssyncadd.s32 $0xFFFFC000  }
0x36: {  	[spmem:s15] =	stream.linear.scatter [tilespmem:s16], [sflag:$0x4], $0x4000, $0x38;
	[tilespmem:$0x18200] =	vst v63  }
0x37: {  	_ =	swait.ge [sflag:s17], $0x4000  }
0x38: {  	[sflag:s17] =	ssyncset.done $0x0  }
0x39: {  	[sflag:s17] =	ssyncadd.s32 $0xFFFFC000  }
0x3a: {  	s28 =	simm.s32 $0x0;
	[bflag:$0x0] =	sbarrier.arrive $0xFFFF  }
0x3b: {  	[tilespmem:s28], [sflag:$0x2] =	stream.linear.gather [hbm4b:s8+s28], $0x80, $0x38;
	[tilespmem:$0x18200] =	vst v63  }
0x3c: {  	s0 =	simm.s32 $0x80;
	s30 =	simm.s32 $0x2  }
0x3d: {  	[tilespmem:s0], [sflag:$0x2] =	stream.linear.gather [hbm4b:s18+s28], $0x80, $0x38;
	[tilespmem:$0x18200] =	vst v63  }
0x3e: {  	_ =	swait.ge [sflag:s30], $0x80  }
0x3f: {  	p1 =	sle.u32 s5, $0x0;
	[sflag:s30] =	ssyncset.done $0x0  }
0x40: {  	p3 =	sle.u32 @!p1 s5, $0x1;
	[sflag:s30] =	ssyncadd.s32 $0xFFFFFF80  }
0x41: {  	p2 =	por !p3, p1;
	_ =	swait.ge [sflag:s30], $0x80  }
0x42: {  	s22 =	simm.s32 @!p2 $0x80;
	s23 =	simm.s32 @!p2 $0x0;
	[sflag:s30] =	ssyncset.done $0x0  }
0x43: {  	s24 =	simm.s32 @!p2 $0x200;
	s25 =	simm.s32 @!p2 $0x1;
	[sflag:s30] =	ssyncadd.s32 $0xFFFFFF80  }
0x44: {  	[tilespmem:s24], [sflag:$0x1] =	stream.indirect.gather @!p2 [hbm4b:s1+s22], $0x80, s23, s22, $0xb8;
	[tilespmem:$0x18200] =	vst v63  }
0x45: {  	_ =	swait.ge @!p2 [sflag:s25], $0x4000  }
0x46: {  	[sflag:s25] =	ssyncset.done @!p2 $0x0  }
0x47: {  	p1 =	por p3, p1;
	s23 =	simm.s32 @!p2 $0x4;
	[sflag:s25] =	ssyncadd.s32 @!p2 $0xFFFFC000  }
0x48: {  	[spmem:s2] =	stream.indirect.scatter.add.f32 @!p2 [tilespmem:s24], [sflag:$0x4], $0x80, s22, s22, $0xb8;
	[tilespmem:$0x18200] =	vst v63  }
0x49: {  	s26 =	simm.s32 @!p1 $0x100;
	s25 =	simm.s32 @!p1 $0x0;
	_ =	swait.ge @!p2 [sflag:s23], $0x4000  }
0x4a: {  	s22 =	sadd.s32 s9, s7;
	s24 =	sadd.s32 @!p1 $0x0, s8;
	[sflag:s23] =	ssyncset.done @!p2 $0x0  }
0x4b: {  	s24 =	sadd.s32 @!p1 $0x20, s24;
	[sflag:s23] =	ssyncadd.s32 @!p2 $0xFFFFC000;
	s23 =	sadd.s32 @!p1 $0x0, s22  }
0x4c: {  	[tilespmem:s26], [sflag:$0x3] =	stream.linear.gather @!p1 [hbm4b:s24+s25], $0x80, $0x38;
	[tilespmem:$0x18200] =	vst v63  }
0x4d: {  	s23 =	sadd.s32 @!p1 $0x20, s23;
	s24 =	simm.s32 @!p1 $0x180  }
0x4e: {  	[tilespmem:s24], [sflag:$0x3] =	stream.linear.gather @!p1 [hbm4b:s23+s25], $0x80, $0x38;
	[tilespmem:$0x18200] =	vst v63  }
0x4f: {  	s26 =	simm.s32 @!p1 $0x1;
	s23 =	simm.s32 @!p1 $0x80;
	s24 =	simm.s32 @!p1 $0x200  }
0x50: {  	[tilespmem:s24], [sflag:$0x1] =	stream.indirect.gather @!p1 [hbm4b:s1+s23], $0x80, s25, s23, $0xb8;
	[tilespmem:$0x18200] =	vst v63  }
0x51: {  	_ =	swait.ge @!p1 [sflag:s26], $0x4000  }
0x52: {  	[sflag:s26] =	ssyncset.done @!p1 $0x0  }
0x53: {  	s25 =	simm.s32 @!p1 $0x4;
	[sflag:s26] =	ssyncadd.s32 @!p1 $0xFFFFC000  }
0x54: {  	[spmem:s2] =	stream.indirect.scatter.add.f32 @!p1 [tilespmem:s24], [sflag:$0x4], $0x80, s23, s23, $0xb8;
	[tilespmem:$0x18200] =	vst v63  }
0x55: {  	_ =	swait.ge @!p1 [sflag:s25], $0x4000  }
0x56: {  	[sflag:s25] =	ssyncset.done @!p1 $0x0  }
0x57: {  	s23 =	simm.s32 @!p1 $0x3;
	[sflag:s25] =	ssyncadd.s32 @!p1 $0xFFFFC000  }
0x58: {  	_ =	swait.ge @!p1 [sflag:s23], $0x80  }
0x59: {  	[sflag:s23] =	ssyncset.done @!p1 $0x0  }
0x5a: {  	[sflag:s23] =	ssyncadd.s32 @!p1 $0xFFFFFF80  }
0x5b: {  	_ =	swait.ge @!p1 [sflag:s23], $0x80  }
0x5c: {  	s31 =	rddreg [dreg:$0x5]  }
0x5d: {  	p2 =	sle.u32 s31, $0x0  }
0x5e: {  	p4 =	sle.u32 @!p2 s5, $0x2  }
0x5f: {  	[sflag:s23] =	ssyncset.done @!p1 $0x0;
	p3 =	por !p4, p2  }
0x60: {  	[sflag:s23] =	ssyncadd.s32 @!p1 $0xFFFFFF80;
	s23 =	simm.s32 @!p3 $0x80  }
0x61: {  	s24 =	simm.s32 @!p3 $0x100;
	s25 =	simm.s32 @!p3 $0x200;
	s26 =	simm.s32 @!p3 $0x1  }
0x62: {  	[tilespmem:s25], [sflag:$0x1] =	stream.indirect.gather @!p3 [hbm4b:s1+s23], $0x80, s24, s23, $0xb8;
	[tilespmem:$0x18200] =	vst v63  }
0x63: {  	_ =	swait.ge @!p3 [sflag:s26], $0x4000  }
0x64: {  	[sflag:s26] =	ssyncset.done @!p3 $0x0  }
0x65: {  	s24 =	simm.s32 @!p3 $0x180;
	[sflag:s26] =	ssyncadd.s32 @!p3 $0xFFFFC000;
	s26 =	simm.s32 @!p3 $0x4  }
0x66: {  	[spmem:s2] =	stream.indirect.scatter.add.f32 @!p3 [tilespmem:s25], [sflag:$0x4], $0x80, s24, s23, $0xb8;
	[tilespmem:$0x18200] =	vst v63  }
0x67: {  	p2 =	por p4, p2;
	_ =	swait.ge @!p3 [sflag:s26], $0x4000  }
0x68: {  	s23 =	sadd.s32 @!p2 $0x0, s8;
	s24 =	sadd.s32 @!p2 $0x0, s22;
	[sflag:s26] =	ssyncset.done @!p3 $0x0  }
0x69: {  	s25 =	simm.s32 @!p2 $0x0;
	s23 =	sadd.s32 @!p2 $0x40, s23;
	[sflag:s26] =	ssyncadd.s32 @!p3 $0xFFFFC000  }
0x6a: {  	[tilespmem:s25], [sflag:$0x2] =	stream.linear.gather @!p2 [hbm4b:s23+s25], $0x80, $0x38;
	[tilespmem:$0x18200] =	vst v63  }
0x6b: {  	s23 =	sadd.s32 @!p2 $0x40, s24;
	s24 =	simm.s32 @!p2 $0x80  }
0x6c: {  	[tilespmem:s24], [sflag:$0x2] =	stream.linear.gather @!p2 [hbm4b:s23+s25], $0x80, $0x38;
	[tilespmem:$0x18200] =	vst v63  }
0x6d: {  	s26 =	simm.s32 @!p2 $0x1;
	s23 =	simm.s32 @!p2 $0x100;
	s25 =	simm.s32 @!p2 $0x200  }
0x6e: {  	[tilespmem:s25], [sflag:$0x1] =	stream.indirect.gather @!p2 [hbm4b:s1+s24], $0x80, s23, s24, $0xb8;
	[tilespmem:$0x18200] =	vst v63  }
0x6f: {  	_ =	swait.ge @!p2 [sflag:s26], $0x4000  }
0x70: {  	[sflag:s26] =	ssyncset.done @!p2 $0x0  }
0x71: {  	s23 =	simm.s32 @!p2 $0x180;
	[sflag:s26] =	ssyncadd.s32 @!p2 $0xFFFFC000;
	s26 =	simm.s32 @!p2 $0x4  }
0x72: {  	[spmem:s2] =	stream.indirect.scatter.add.f32 @!p2 [tilespmem:s25], [sflag:$0x4], $0x80, s23, s24, $0xb8;
	[tilespmem:$0x18200] =	vst v63  }
0x73: {  	_ =	swait.ge @!p2 [sflag:s26], $0x4000  }
0x74: {  	p3 =	sle.u32 s5, $0x2;
	[sflag:s26] =	ssyncset.done @!p2 $0x0  }
0x75: {  	s29 =	simm.s32 @!p2 $0x2;
	p4 =	sle.u32 @!p3 s5, $0x3;
	[sflag:s26] =	ssyncadd.s32 @!p2 $0xFFFFC000  }
0x76: {  	s23 =	simm.s32 $0x40;
	s25 =	simm.s32 $0x80;
	_ =	swait.ge @!p2 [sflag:s29], $0x80  }
0x77: {  	s24 =	simm.s32 $0x4;
	s26 =	simm.s32 $0x2;
	[sflag:s29] =	ssyncset.done @!p2 $0x0  }
.LBB2_4:
0x78: {  	[sflag:s29] =	ssyncadd.s32 @!p2 $0xFFFFFF80  }
0x79: {  	p5 =	por !p4, p3;
	_ =	swait.ge @!p2 [sflag:s29], $0x80  }
0x7a: {  	s30 =	simm.s32 @!p5 $0x80;
	s31 =	simm.s32 @!p5 $0x0;
	[sflag:s29] =	ssyncset.done @!p2 $0x0  }
0x7b: {  	s0 =	simm.s32 @!p5 $0x200;
	s19 =	simm.s32 @!p5 $0x1;
	[sflag:s29] =	ssyncadd.s32 @!p2 $0xFFFFFF80  }
0x7c: {  	[tilespmem:s0], [sflag:$0x1] =	stream.indirect.gather @!p5 [hbm4b:s1+s30], $0x80, s31, s30, $0xb8;
	[tilespmem:$0x18200] =	vst v63  }
0x7d: {  	_ =	swait.ge @!p5 [sflag:s19], $0x4000  }
0x7e: {  	[sflag:s19] =	ssyncset.done @!p5 $0x0  }
0x7f: {  	s29 =	simm.s32 @!p5 $0x4;
	p2 =	por p4, p3;
	[sflag:s19] =	ssyncadd.s32 @!p5 $0xFFFFC000  }
0x80: {  	[spmem:s2] =	stream.indirect.scatter.add.f32 @!p5 [tilespmem:s0], [sflag:$0x4], $0x80, s30, s30, $0xb8;
	[tilespmem:$0x18200] =	vst v63  }
0x81: {  	s19 =	simm.s32 @!p2 $0x0;
	_ =	swait.ge @!p5 [sflag:s29], $0x4000  }
0x82: {  	s0 =	sadd.s32 @!p2 s23, s8;
	s30 =	simm.s32 @!p2 $0x100;
	[sflag:s29] =	ssyncset.done @!p5 $0x0  }
0x83: {  	s0 =	sadd.s32 @!p2 $0x20, s0;
	[sflag:s29] =	ssyncadd.s32 @!p5 $0xFFFFC000;
	s29 =	sadd.s32 @!p2 s23, s22  }
0x84: {  	[tilespmem:s30], [sflag:$0x3] =	stream.linear.gather @!p2 [hbm4b:s0+s19], $0x80, $0x38;
	[tilespmem:$0x18200] =	vst v63  }
0x85: {  	s0 =	sadd.s32 @!p2 $0x20, s29;
	s29 =	simm.s32 @!p2 $0x180  }
0x86: {  	[tilespmem:s29], [sflag:$0x3] =	stream.linear.gather @!p2 [hbm4b:s0+s19], $0x80, $0x38;
	[tilespmem:$0x18200] =	vst v63  }
0x87: {  	s30 =	simm.s32 @!p2 $0x1;
	s0 =	simm.s32 @!p2 $0x80;
	s29 =	simm.s32 @!p2 $0x200  }
0x88: {  	[tilespmem:s29], [sflag:$0x1] =	stream.indirect.gather @!p2 [hbm4b:s1+s0], $0x80, s19, s0, $0xb8;
	[tilespmem:$0x18200] =	vst v63  }
0x89: {  	_ =	swait.ge @!p2 [sflag:s30], $0x4000  }
0x8a: {  	[sflag:s30] =	ssyncset.done @!p2 $0x0  }
0x8b: {  	s19 =	simm.s32 @!p2 $0x4;
	[sflag:s30] =	ssyncadd.s32 @!p2 $0xFFFFC000  }
0x8c: {  	[spmem:s2] =	stream.indirect.scatter.add.f32 @!p2 [tilespmem:s29], [sflag:$0x4], $0x80, s0, s0, $0xb8;
	[tilespmem:$0x18200] =	vst v63  }
0x8d: {  	_ =	swait.ge @!p2 [sflag:s19], $0x4000  }
0x8e: {  	[sflag:s19] =	ssyncset.done @!p2 $0x0  }
0x8f: {  	s0 =	simm.s32 @!p2 $0x3;
	[sflag:s19] =	ssyncadd.s32 @!p2 $0xFFFFC000  }
0x90: {  	_ =	swait.ge @!p2 [sflag:s0], $0x80  }
0x91: {  	[sflag:s0] =	ssyncset.done @!p2 $0x0  }
0x92: {  	[sflag:s0] =	ssyncadd.s32 @!p2 $0xFFFFFF80  }
0x93: {  	_ =	swait.ge @!p2 [sflag:s0], $0x80  }
0x94: {  	s31 =	rddreg [dreg:$0x5]  }
0x95: {  	p4 =	sge.u32 s26, s31  }
0x96: {  	p5 =	sge.u32 @!p4 s24, s5  }
0x97: {  	[sflag:s0] =	ssyncset.done @!p2 $0x0;
	p3 =	por !p5, p4  }
0x98: {  	[sflag:s0] =	ssyncadd.s32 @!p2 $0xFFFFFF80;
	s0 =	simm.s32 @!p3 $0x80  }
0x99: {  	s19 =	simm.s32 @!p3 $0x100;
	s26 =	simm.s32 @!p3 $0x200;
	s29 =	simm.s32 @!p3 $0x1  }
0x9a: {  	[tilespmem:s26], [sflag:$0x1] =	stream.indirect.gather @!p3 [hbm4b:s1+s0], $0x80, s19, s0, $0xb8;
	[tilespmem:$0x18200] =	vst v63  }
0x9b: {  	_ =	swait.ge @!p3 [sflag:s29], $0x4000  }
0x9c: {  	[sflag:s29] =	ssyncset.done @!p3 $0x0  }
0x9d: {  	s19 =	simm.s32 @!p3 $0x180;
	[sflag:s29] =	ssyncadd.s32 @!p3 $0xFFFFC000;
	s29 =	simm.s32 @!p3 $0x4  }
0x9e: {  	[spmem:s2] =	stream.indirect.scatter.add.f32 @!p3 [tilespmem:s26], [sflag:$0x4], $0x80, s19, s0, $0xb8;
	[tilespmem:$0x18200] =	vst v63  }
0x9f: {  	s28 =	smov.u32 s25;
	p2 =	por p5, p4;
	_ =	swait.ge @!p3 [sflag:s29], $0x4000  }
0xa0: {  	s0 =	sadd.s32 @!p2 s23, s8;
	s19 =	sadd.s32 @!p2 s23, s22;
	[sflag:s29] =	ssyncset.done @!p3 $0x0  }
0xa1: {  	s26 =	simm.s32 @!p2 $0x0;
	s0 =	sadd.s32 @!p2 $0x40, s0;
	[sflag:s29] =	ssyncadd.s32 @!p3 $0xFFFFC000  }
0xa2: {  	[tilespmem:s26], [sflag:$0x2] =	stream.linear.gather @!p2 [hbm4b:s0+s26], $0x80, $0x38;
	[tilespmem:$0x18200] =	vst v63  }
0xa3: {  	s23 =	smov.u32 s28;
	s0 =	sadd.s32 @!p2 $0x40, s19;
	s19 =	simm.s32 @!p2 $0x80  }
0xa4: {  	[tilespmem:s19], [sflag:$0x2] =	stream.linear.gather @!p2 [hbm4b:s0+s26], $0x80, $0x38;
	[tilespmem:$0x18200] =	vst v63  }
0xa5: {  	s28 =	simm.s32 @!p2 $0x1;
	s0 =	simm.s32 @!p2 $0x100;
	s26 =	simm.s32 @!p2 $0x200  }
0xa6: {  	[tilespmem:s26], [sflag:$0x1] =	stream.indirect.gather @!p2 [hbm4b:s1+s19], $0x80, s0, s19, $0xb8;
	[tilespmem:$0x18200] =	vst v63  }
0xa7: {  	s25 =	sadd.s32 $0x40, s25;
	_ =	swait.ge @!p2 [sflag:s28], $0x4000  }
0xa8: {  	p1 =	sne.s32 s25, $0xA00;
	[sflag:s28] =	ssyncset.done @!p2 $0x0  }
0xa9: {  	s0 =	simm.s32 @!p2 $0x180;
	[sflag:s28] =	ssyncadd.s32 @!p2 $0xFFFFC000;
	s28 =	simm.s32 @!p2 $0x4  }
0xaa: {  	[spmem:s2] =	stream.indirect.scatter.add.f32 @!p2 [tilespmem:s26], [sflag:$0x4], $0x80, s0, s19, $0xb8;
	[tilespmem:$0x18200] =	vst v63  }
.Ltmp1:
0xab: {  	s24 =	sadd.s32 $0x2, s24;
	_ =	swait.ge @!p2 [sflag:s28], $0x4000;
	(pc) =	sbr.rel @p1 .LBB2_4-.Ltmp1, $4  }
0xac: {  	s26 =	sadd.s32 $0xFFFFFFFE, s24;
	[sflag:s28] =	ssyncset.done @!p2 $0x0  }
0xad: {  	s29 =	simm.s32 @!p2 $0x2;
	p3 =	sge.u32 s26, s5;
	[sflag:s28] =	ssyncadd.s32 @!p2 $0xFFFFC000  }
0xae: {  	s0 =	sadd.s32 @!p3 $0xFFFFFFFF, s24;
	_ =	swait.ge @!p2 [sflag:s29], $0x80  }
0xaf: {  	p4 =	sge.u32 @!p3 s0, s5;
	[sflag:s29] =	ssyncset.done @!p2 $0x0  }
0xb0: {  	[sflag:s29] =	ssyncadd.s32 @!p2 $0xFFFFFF80  }
0xb1: {  	p5 =	por !p4, p3;
	_ =	swait.ge @!p2 [sflag:s29], $0x80  }
0xb2: {  	s0 =	simm.s32 @!p5 $0x80;
	s19 =	simm.s32 @!p5 $0x0;
	[sflag:s29] =	ssyncset.done @!p2 $0x0  }
0xb3: {  	s25 =	simm.s32 @!p5 $0x200;
	s28 =	simm.s32 @!p5 $0x1;
	[sflag:s29] =	ssyncadd.s32 @!p2 $0xFFFFFF80  }
0xb4: {  	[tilespmem:s25], [sflag:$0x1] =	stream.indirect.gather @!p5 [hbm4b:s1+s0], $0x80, s19, s0, $0xb8;
	[tilespmem:$0x18200] =	vst v63  }
0xb5: {  	_ =	swait.ge @!p5 [sflag:s28], $0x4000  }
0xb6: {  	[sflag:s28] =	ssyncset.done @!p5 $0x0  }
0xb7: {  	p1 =	por p4, p3;
	s19 =	simm.s32 @!p5 $0x4;
	[sflag:s28] =	ssyncadd.s32 @!p5 $0xFFFFC000  }
0xb8: {  	[spmem:s2] =	stream.indirect.scatter.add.f32 @!p5 [tilespmem:s25], [sflag:$0x4], $0x80, s0, s0, $0xb8;
	[tilespmem:$0x18200] =	vst v63  }
0xb9: {  	s28 =	simm.s32 @!p1 $0x100;
	_ =	swait.ge @!p5 [sflag:s19], $0x4000  }
0xba: {  	s0 =	sadd.s32 @!p1 s23, s8;
	s25 =	simm.s32 @!p1 $0x0;
	[sflag:s19] =	ssyncset.done @!p5 $0x0  }
0xbb: {  	s0 =	sadd.s32 @!p1 $0x20, s0;
	[sflag:s19] =	ssyncadd.s32 @!p5 $0xFFFFC000;
	s19 =	sadd.s32 @!p1 s23, s22  }
0xbc: {  	[tilespmem:s28], [sflag:$0x3] =	stream.linear.gather @!p1 [hbm4b:s0+s25], $0x80, $0x38;
	[tilespmem:$0x18200] =	vst v63  }
0xbd: {  	s0 =	sadd.s32 @!p1 $0x20, s19;
	s19 =	simm.s32 @!p1 $0x180  }
0xbe: {  	[tilespmem:s19], [sflag:$0x3] =	stream.linear.gather @!p1 [hbm4b:s0+s25], $0x80, $0x38;
	[tilespmem:$0x18200] =	vst v63  }
0xbf: {  	s28 =	simm.s32 @!p1 $0x1;
	s0 =	simm.s32 @!p1 $0x80;
	s19 =	simm.s32 @!p1 $0x200  }
0xc0: {  	[tilespmem:s19], [sflag:$0x1] =	stream.indirect.gather @!p1 [hbm4b:s1+s0], $0x80, s25, s0, $0xb8;
	[tilespmem:$0x18200] =	vst v63  }
0xc1: {  	_ =	swait.ge @!p1 [sflag:s28], $0x4000  }
0xc2: {  	[sflag:s28] =	ssyncset.done @!p1 $0x0  }
0xc3: {  	s25 =	simm.s32 @!p1 $0x4;
	[sflag:s28] =	ssyncadd.s32 @!p1 $0xFFFFC000  }
0xc4: {  	[spmem:s2] =	stream.indirect.scatter.add.f32 @!p1 [tilespmem:s19], [sflag:$0x4], $0x80, s0, s0, $0xb8;
	[tilespmem:$0x18200] =	vst v63  }
0xc5: {  	_ =	swait.ge @!p1 [sflag:s25], $0x4000  }
0xc6: {  	[sflag:s25] =	ssyncset.done @!p1 $0x0  }
0xc7: {  	s0 =	simm.s32 @!p1 $0x3;
	[sflag:s25] =	ssyncadd.s32 @!p1 $0xFFFFC000  }
0xc8: {  	_ =	swait.ge @!p1 [sflag:s0], $0x80  }
0xc9: {  	[sflag:s0] =	ssyncset.done @!p1 $0x0  }
0xca: {  	[sflag:s0] =	ssyncadd.s32 @!p1 $0xFFFFFF80  }
0xcb: {  	_ =	swait.ge @!p1 [sflag:s0], $0x80  }
0xcc: {  	s31 =	rddreg [dreg:$0x5]  }
0xcd: {  	p3 =	sge.u32 s26, s31  }
0xce: {  	p4 =	sge.u32 @!p3 s24, s5  }
0xcf: {  	[sflag:s0] =	ssyncset.done @!p1 $0x0;
	p2 =	por !p4, p3  }
0xd0: {  	[sflag:s0] =	ssyncadd.s32 @!p1 $0xFFFFFF80;
	s0 =	simm.s32 @!p2 $0x80  }
0xd1: {  	s19 =	simm.s32 @!p2 $0x100;
	s24 =	simm.s32 @!p2 $0x200;
	s25 =	simm.s32 @!p2 $0x1  }
0xd2: {  	[tilespmem:s24], [sflag:$0x1] =	stream.indirect.gather @!p2 [hbm4b:s1+s0], $0x80, s19, s0, $0xb8;
	[tilespmem:$0x18200] =	vst v63  }
0xd3: {  	_ =	swait.ge @!p2 [sflag:s25], $0x4000  }
0xd4: {  	[sflag:s25] =	ssyncset.done @!p2 $0x0  }
0xd5: {  	s19 =	simm.s32 @!p2 $0x180;
	[sflag:s25] =	ssyncadd.s32 @!p2 $0xFFFFC000;
	s25 =	simm.s32 @!p2 $0x4  }
0xd6: {  	[spmem:s2] =	stream.indirect.scatter.add.f32 @!p2 [tilespmem:s24], [sflag:$0x4], $0x80, s19, s0, $0xb8;
	[tilespmem:$0x18200] =	vst v63  }
0xd7: {  	p1 =	por p4, p3;
	_ =	swait.ge @!p2 [sflag:s25], $0x4000  }
0xd8: {  	s0 =	sadd.s32 @!p1 s23, s8;
	s19 =	sadd.s32 @!p1 s23, s22;
	[sflag:s25] =	ssyncset.done @!p2 $0x0  }
0xd9: {  	s22 =	simm.s32 @!p1 $0x0;
	s0 =	sadd.s32 @!p1 $0x40, s0;
	[sflag:s25] =	ssyncadd.s32 @!p2 $0xFFFFC000  }
0xda: {  	[tilespmem:s22], [sflag:$0x2] =	stream.linear.gather @!p1 [hbm4b:s0+s22], $0x80, $0x38;
	[tilespmem:$0x18200] =	vst v63  }
0xdb: {  	s0 =	sadd.s32 @!p1 $0x40, s19;
	s19 =	simm.s32 @!p1 $0x80  }
0xdc: {  	[tilespmem:s19], [sflag:$0x2] =	stream.linear.gather @!p1 [hbm4b:s0+s22], $0x80, $0x38;
	[tilespmem:$0x18200] =	vst v63  }
0xdd: {  	s23 =	simm.s32 @!p1 $0x1;
	s0 =	simm.s32 @!p1 $0x100;
	s22 =	simm.s32 @!p1 $0x200  }
0xde: {  	[tilespmem:s22], [sflag:$0x1] =	stream.indirect.gather @!p1 [hbm4b:s1+s19], $0x80, s0, s19, $0xb8;
	[tilespmem:$0x18200] =	vst v63  }
0xdf: {  	_ =	swait.ge @!p1 [sflag:s23], $0x4000  }
0xe0: {  	[sflag:s23] =	ssyncset.done @!p1 $0x0  }
0xe1: {  	s0 =	simm.s32 @!p1 $0x180;
	[sflag:s23] =	ssyncadd.s32 @!p1 $0xFFFFC000;
	s23 =	simm.s32 @!p1 $0x4  }
0xe2: {  	[spmem:s2] =	stream.indirect.scatter.add.f32 @!p1 [tilespmem:s22], [sflag:$0x4], $0x80, s0, s19, $0xb8;
	[tilespmem:$0x18200] =	vst v63  }
0xe3: {  	_ =	swait.ge @!p1 [sflag:s23], $0x4000  }
0xe4: {  	[sflag:s23] =	ssyncset.done @!p1 $0x0  }
0xe5: {  	s0 =	simm.s32 @!p1 $0x2;
	[sflag:s23] =	ssyncadd.s32 @!p1 $0xFFFFC000  }
0xe6: {  	_ =	swait.ge @!p1 [sflag:s0], $0x80  }
0xe7: {  	[sflag:s0] =	ssyncset.done @!p1 $0x0  }
0xe8: {  	[sflag:s0] =	ssyncadd.s32 @!p1 $0xFFFFFF80  }
0xe9: {  	_ =	swait.ge @!p1 [sflag:s0], $0x80  }
0xea: {  	[sflag:s0] =	ssyncset.done @!p1 $0x0  }
0xeb: {  	[sflag:s0] =	ssyncadd.s32 @!p1 $0xFFFFFF80  }
0xec: {  	s19 =	simm.s32 @p0 $0x1FC4;
	s0 =	sadd.s32 @p0 $0x25800, s10;
	[bflag:$0x0] =	sbarrier.arrive $0xFFFF  }
0xed: {  	[hbm:s0], [sflag:s19] =	dma.local @p0 [spmem:s20], $0x1900  }
0xee: {  	s0 =	simm.s32 @p0 $0x4  }
0xef: {  	s3 =	sadd.s32 $0x1, s3;
	_ =	swait.ge @p0 [sflag:s0], $0x1900  }
0xf0: {  	p1 =	sne.s32 s3, s11;
	s19 =	sshll.u32 @!p0 s4, $0x6;
	[sflag:s0] =	ssyncset.done @p0 $0x0  }
0xf1: {  	[sflag:s0] =	ssyncadd.s32 @p0 $0xFFFFE700;
	s0 =	sor.u32 @!p0 $0x1C04, s19;
	s19 =	sshrl.u32 @!p0 s6, $0x3  }
0xf2: {  	[hbm:s21], [sflag:s0] =	dma.local @!p0 [spmem:s19], $0x2800  }
.Ltmp2:
0xf3: {  	_ = 	snop;
	(pc) =	sbr.rel @p1 .LBB2_1-.Ltmp2, $4  }
0xf4: {  	s0 =	simm.s32 @!p0 $0x4  }
0xf5: {  	_ =	swait.ge @!p0 [sflag:s0], $0x2800  }
0xf6: {  	[sflag:s0] =	ssyncset.done @!p0 $0x0  }
0xf7: {  	[sflag:s0] =	ssyncadd.s32 @!p0 $0xFFFFD800  }
0xf8: {  	_ =	sfence.sel $0x180000  }
0xf9: {  	[bflag:$0x0] =	sbarrier.arrive $0xFFFF  }
0xfa: {  	_ =	strace $0x90000047  }
0xfb: {  	[bflag:$0x2] =	sbarrier.arrive $0xFFFF  }
0xfc: {  	p0 =	sne.s32 s4, $0x0;
	s0 =	rddreg [dreg:$0x4]  }
0xfd: {  	s0 =	sadd.s32 @!p0 $0x100000, s0  }
0xfe: {  	[sflag:s0] =	ssyncadd.tile.s32 @!p0 $0x1;
	_ =	shalt  }
.Lfunc_end2:
_tile_overlayer_lowered:
.L_overlay_start_2:
0xff: {  	(tag) =	ssettag $0x2  }
0x100: {  	s0 =	rddreg [dreg:$0x0];
	s2 =	stileid.u32  }
0x101: {  	s1 =	rddreg [dreg:$0x1];
	p0 =	sne.s32 s2, $0x0  }
0x102: {  	s3 =	rddreg [dreg:$0x2];
	[bflag:$0x3] =	sbarrier.arrive $0xFFFF;
	s2 =	simm.s32 @!p0 $0x1C04  }
0x103: {  	[timem:s3], [sflag:s2] =	dma.local @!p0 [hbm:s0], s1  }
0x104: {  	s0 =	simm.s32 @!p0 $0x4  }
0x105: {  	_ =	swait.ge @!p0 [sflag:s0], s1  }
0x106: {  	s1 =	ssub.s32 @!p0 $0x0, s1;
	[sflag:s0] =	ssyncset.done @!p0 $0x0  }
0x107: {  	[sflag:s0] =	ssyncadd.s32 @!p0 s1  }
0x108: {  	[bflag:$0x3] =	sbarrier.arrive $0xFFFF  }
0x109: {  	_ =	shalt  }

</sc_bundles>
